<compile_context>
chip_gen: v7x
topology: tpu7x:2x2x1
jax: 0.10.2.dev20260603
libtpu: 0.0.44.dev20260713+nightly
codegen_flags: <defaults>
</compile_context>

<pallas_src>
import jax
import jax.numpy as jnp
from jax import lax
from jax.experimental import pallas as pl
from jax.experimental.pallas import tpu as pltpu
from jax.experimental.pallas import tpu_sc as plsc

NC = 2
NS = 16
LANES = 16
NW = NC * NS
BATCH = 16384
RANK = 32
BPW = BATCH // NW
IDX_CHUNK = 128
NCHUNK = BPW // IDX_CHUNK


def _pmf_body(uid_hbm, iid_hbm, ut_hbm, it_hbm, ub_hbm, ib_hbm, gb_hbm, lp_hbm,
              pred_hbm, unc_hbm, ue_hbm, ie_hbm,
              uid_v, iid_v, u_rows, i_rows, ub_v, ib_v, pred_v, gb_v, lp_v,
              sem, osem):
    c = lax.axis_index("c")
    s = lax.axis_index("s")
    wid = s * NC + c
    base = wid * BPW

    pltpu.sync_copy(uid_hbm.at[pl.ds(wid * NCHUNK, NCHUNK)], uid_v)
    pltpu.sync_copy(iid_hbm.at[pl.ds(wid * NCHUNK, NCHUNK)], iid_v)
    pltpu.sync_copy(gb_hbm, gb_v)
    pltpu.sync_copy(lp_hbm, lp_v)

    copies = []
    for j in range(NCHUNK):
        sl = pl.ds(j * IDX_CHUNK, IDX_CHUNK)
        copies.append(pltpu.async_copy(ut_hbm.at[uid_v.at[j]], u_rows.at[sl], sem))
        copies.append(pltpu.async_copy(it_hbm.at[iid_v.at[j]], i_rows.at[sl], sem))
        copies.append(pltpu.async_copy(ub_hbm.at[uid_v.at[j]], ub_v.at[sl], sem))
        copies.append(pltpu.async_copy(ib_hbm.at[iid_v.at[j]], ib_v.at[sl], sem))
    for cp in copies:
        cp.wait()

    out_u = pltpu.async_copy(u_rows, ue_hbm.at[pl.ds(base, BPW)], osem)
    out_i = pltpu.async_copy(i_rows, ie_hbm.at[pl.ds(base, BPW)], osem)

    gb = gb_v[...]
    lane = lax.iota(jnp.int32, LANES)

    def blk(b, carry):
        rows = lane + b * LANES
        acc = jnp.zeros((LANES,), jnp.float32)
        for r in range(RANK):
            colr = jnp.full((LANES,), r, jnp.int32)
            uc = plsc.load_gather(u_rows, [rows, colr])
            ic = plsc.load_gather(i_rows, [rows, colr])
            acc = acc + uc * ic
        off = pl.ds(b * LANES, LANES)
        pred_v[off] = acc + ub_v[off] + ib_v[off] + gb
        return carry

    lax.fori_loop(0, BPW // LANES, blk, 0)

    pltpu.sync_copy(pred_v, pred_hbm.at[pl.ds(base, BPW)])

    @pl.when(wid == 0)
    def _():
        lp_v[...] = 1.0 / jnp.exp(lp_v[...])
        pltpu.sync_copy(lp_v, unc_hbm)

    out_u.wait()
    out_i.wait()


@jax.jit
def kernel(user_ids, item_ids, user_table, item_table, user_bias, item_bias,
           global_bias, log_precision):
    uid = user_ids.astype(jnp.int32).reshape(NW * NCHUNK, IDX_CHUNK)
    iid = item_ids.astype(jnp.int32).reshape(NW * NCHUNK, IDX_CHUNK)
    ub = user_bias.reshape(-1)
    ib = item_bias.reshape(-1)
    gb = jnp.broadcast_to(global_bias.astype(jnp.float32), (LANES,))
    lp = jnp.broadcast_to(log_precision.astype(jnp.float32), (LANES,))

    mesh = plsc.VectorSubcoreMesh(core_axis_name="c", subcore_axis_name="s",
                                  num_cores=NC, num_subcores=NS)
    pred, unc, ue, ie = pl.kernel(
        _pmf_body,
        out_type=[
            jax.ShapeDtypeStruct((BATCH,), jnp.float32),
            jax.ShapeDtypeStruct((LANES,), jnp.float32),
            jax.ShapeDtypeStruct((BATCH, RANK), jnp.float32),
            jax.ShapeDtypeStruct((BATCH, RANK), jnp.float32),
        ],
        mesh=mesh,
        compiler_params=pltpu.CompilerParams(use_tc_tiling_on_sc=False,
                                             needs_layout_passes=False),
        scratch_types=[
            pltpu.VMEM((NCHUNK, IDX_CHUNK), jnp.int32),
            pltpu.VMEM((NCHUNK, IDX_CHUNK), jnp.int32),
            pltpu.VMEM((BPW, RANK), jnp.float32),
            pltpu.VMEM((BPW, RANK), jnp.float32),
            pltpu.VMEM((BPW,), jnp.float32),
            pltpu.VMEM((BPW,), jnp.float32),
            pltpu.VMEM((BPW,), jnp.float32),
            pltpu.VMEM((LANES,), jnp.float32),
            pltpu.VMEM((LANES,), jnp.float32),
            pltpu.SemaphoreType.DMA,
            pltpu.SemaphoreType.DMA,
        ],
    )(uid, iid, user_table, item_table, ub, ib, gb, lp)

    return (pred.reshape(BATCH, 1), unc[:1], ue, ie)

# --- scband reference (transcript-rebuilt; emitter-appended) ---
"""Pipeline reference for scband-probabilistic-matrix-factorization-37580963840045 (READ-ONLY COPY).

The authoritative reference and input builder live on the scoring server;
editing this copy changes nothing except your own understanding.
"""

import jax, jax.numpy as jnp
import numpy as np

NUM_PATIENTS = 1000000
NUM_FEATURES = 100000
RANK = 32
BATCH = 16384


def setup_inputs(seed: int = 0) -> dict:
    key = jax.random.key(seed)
    k1, k2, k3, k4, k5, k6 = jax.random.split(key, 6)
    return {
        "user_ids": jax.random.randint(k1, (BATCH,), 0, NUM_PATIENTS),
        "item_ids": jax.random.randint(k2, (BATCH,), 0, NUM_FEATURES),
        "user_table": 0.1 * jax.random.normal(k3, (NUM_PATIENTS, RANK), dtype=jnp.float32),
        "item_table": 0.1 * jax.random.normal(k4, (NUM_FEATURES, RANK), dtype=jnp.float32),
        "user_bias": 0.1 * jax.random.normal(k5, (NUM_PATIENTS, 1), dtype=jnp.float32),
        "item_bias": 0.1 * jax.random.normal(k6, (NUM_FEATURES, 1), dtype=jnp.float32),
        "global_bias": jnp.zeros((1,), dtype=jnp.float32),
        "log_precision": jnp.zeros((1,), dtype=jnp.float32),
    }


def reference(user_ids, item_ids, user_table, item_table, user_bias, item_bias, global_bias, log_precision):
    # Embedding lookups (gather)
    user_emb = jnp.take(user_table, user_ids, axis=0)      # [B, rank]
    item_emb = jnp.take(item_table, item_ids, axis=0)      # [B, rank]
    user_b = jnp.take(user_bias, user_ids, axis=0)         # [B, 1]
    item_b = jnp.take(item_bias, item_ids, axis=0)         # [B, 1]
    # Dot-product prediction with biases
    prediction = jnp.sum(user_emb * item_emb, axis=-1, keepdims=True)
    prediction = prediction + user_b + item_b + global_bias
    uncertainty = 1.0 / jnp.exp(log_precision)
    return (prediction, uncertainty, user_emb, item_emb)

if __name__ == "__main__":
    import jax
    _d = setup_inputs()
    print(jax.jit(kernel)(*tuple(_d.values())))

</pallas_src>

<mosaic_0001>
#map = affine_map<(d0, d1) -> (0, 0)>
#map1 = affine_map<(d0, d1) -> (0)>
module attributes {stable_mosaic.version = 14 : i64} {
  func.func @_pmf_body(%arg0: i32, %arg1: i32, %arg2: memref<128x128xi32, #tpu.memory_space<hbm>>, %arg3: memref<128x128xi32, #tpu.memory_space<hbm>>, %arg4: memref<1000000x32xf32, #tpu.memory_space<hbm>>, %arg5: memref<100000x32xf32, #tpu.memory_space<hbm>>, %arg6: memref<1000000xf32, #tpu.memory_space<hbm>>, %arg7: memref<100000xf32, #tpu.memory_space<hbm>>, %arg8: memref<16xf32, #tpu.memory_space<hbm>>, %arg9: memref<16xf32, #tpu.memory_space<hbm>>, %arg10: memref<16384xf32, #tpu.memory_space<hbm>>, %arg11: memref<16xf32, #tpu.memory_space<hbm>>, %arg12: memref<16384x32xf32, #tpu.memory_space<hbm>>, %arg13: memref<16384x32xf32, #tpu.memory_space<hbm>>, %arg14: memref<4x128xi32, #tpu.memory_space<vmem>>, %arg15: memref<4x128xi32, #tpu.memory_space<vmem>>, %arg16: memref<512x32xf32, #tpu.memory_space<vmem>>, %arg17: memref<512x32xf32, #tpu.memory_space<vmem>>, %arg18: memref<512xf32, #tpu.memory_space<vmem>>, %arg19: memref<512xf32, #tpu.memory_space<vmem>>, %arg20: memref<512xf32, #tpu.memory_space<vmem>>, %arg21: memref<16xf32, #tpu.memory_space<vmem>>, %arg22: memref<16xf32, #tpu.memory_space<vmem>>, %arg23: memref<!tpu.dma_semaphore, #tpu.memory_space<semaphore_mem>>, %arg24: memref<!tpu.dma_semaphore, #tpu.memory_space<semaphore_mem>>) attributes {dimension_semantics = [#tpu.dimension_semantics<core_parallel>, #tpu.dimension_semantics<subcore_parallel>], iteration_bounds = array<i64: 2, 16>, scalar_prefetch = 0 : i64, scratch_operands = 11 : i64, tpu.core_type = #tpu.core_type<sc_vector_subcore>, window_params = [{transform_indices = #map}, {transform_indices = #map}, {transform_indices = #map}, {transform_indices = #map}, {transform_indices = #map1}, {transform_indices = #map1}, {transform_indices = #map1}, {transform_indices = #map1}, {transform_indices = #map1}, {transform_indices = #map1}, {transform_indices = #map}, {transform_indices = #map}]} {
    %mul3A = arith.constant 2 : i32
    %mul3A_0 = arith.muli %arg1, %mul3A : i32
    %add3A = arith.addi %mul3A_0, %arg0 : i32
    %mul3A_1 = arith.constant 512 : i32
    %mul3A_2 = arith.muli %add3A, %mul3A_1 : i32
    %mul3A_3 = arith.constant 4 : i32
    %mul3A_4 = arith.muli %add3A, %mul3A_3 : i32
    "tpu.region"() ({
      %run_scoped3A = tpu.sem_alloc : memref<!tpu.dma_semaphore, #tpu.memory_space<semaphore_mem>>
      %dma_start3A_317 = arith.constant 0 : i32
      %dma_start3A_318 = tpu.memref_slice %arg2[%mul3A_4, %dma_start3A_317] : memref<128x128xi32, #tpu.memory_space<hbm>> -> memref<4x128xi32, #tpu.memory_space<hbm>>
      %dma_start3A_319 = arith.constant 0 : i32
      %dma_start3A_320 = tpu.memref_slice %arg2[%mul3A_4, %dma_start3A_319] : memref<128x128xi32, #tpu.memory_space<hbm>> -> memref<4x128xi32, #tpu.memory_space<hbm>>
      tpu.enqueue_dma source(%dma_start3A_320 : memref<4x128xi32, #tpu.memory_space<hbm>>) target(%arg14 : memref<4x128xi32, #tpu.memory_space<vmem>>) target_semaphore(%run_scoped3A : memref<!tpu.dma_semaphore, #tpu.memory_space<semaphore_mem>>)
      %dma_wait3A_321 = arith.constant 0 : i32
      %dma_wait3A_322 = tpu.memref_slice %arg2[%mul3A_4, %dma_wait3A_321] : memref<128x128xi32, #tpu.memory_space<hbm>> -> memref<4x128xi32, #tpu.memory_space<hbm>>
      %dma_wait3A_323 = arith.constant 0 : i32
      %dma_wait3A_324 = tpu.memref_slice %arg2[%mul3A_4, %dma_wait3A_323] : memref<128x128xi32, #tpu.memory_space<hbm>> -> memref<4x128xi32, #tpu.memory_space<hbm>>
      tpu.wait_dma2 semaphore(%run_scoped3A : memref<!tpu.dma_semaphore, #tpu.memory_space<semaphore_mem>>) src(%dma_wait3A_324 : memref<4x128xi32, #tpu.memory_space<hbm>>) dst(%arg14 : memref<4x128xi32, #tpu.memory_space<vmem>>)
      tpu.yield
    }) : () -> ()
    %mul3A_5 = arith.constant 4 : i32
    %mul3A_6 = arith.muli %add3A, %mul3A_5 : i32
    "tpu.region"() ({
      %run_scoped3A = tpu.sem_alloc : memref<!tpu.dma_semaphore, #tpu.memory_space<semaphore_mem>>
      %dma_start3A_317 = arith.constant 0 : i32
      %dma_start3A_318 = tpu.memref_slice %arg3[%mul3A_6, %dma_start3A_317] : memref<128x128xi32, #tpu.memory_space<hbm>> -> memref<4x128xi32, #tpu.memory_space<hbm>>
      %dma_start3A_319 = arith.constant 0 : i32
      %dma_start3A_320 = tpu.memref_slice %arg3[%mul3A_6, %dma_start3A_319] : memref<128x128xi32, #tpu.memory_space<hbm>> -> memref<4x128xi32, #tpu.memory_space<hbm>>
      tpu.enqueue_dma source(%dma_start3A_320 : memref<4x128xi32, #tpu.memory_space<hbm>>) target(%arg15 : memref<4x128xi32, #tpu.memory_space<vmem>>) target_semaphore(%run_scoped3A : memref<!tpu.dma_semaphore, #tpu.memory_space<semaphore_mem>>)
      %dma_wait3A_321 = arith.constant 0 : i32
      %dma_wait3A_322 = tpu.memref_slice %arg3[%mul3A_6, %dma_wait3A_321] : memref<128x128xi32, #tpu.memory_space<hbm>> -> memref<4x128xi32, #tpu.memory_space<hbm>>
      %dma_wait3A_323 = arith.constant 0 : i32
      %dma_wait3A_324 = tpu.memref_slice %arg3[%mul3A_6, %dma_wait3A_323] : memref<128x128xi32, #tpu.memory_space<hbm>> -> memref<4x128xi32, #tpu.memory_space<hbm>>
      tpu.wait_dma2 semaphore(%run_scoped3A : memref<!tpu.dma_semaphore, #tpu.memory_space<semaphore_mem>>) src(%dma_wait3A_324 : memref<4x128xi32, #tpu.memory_space<hbm>>) dst(%arg15 : memref<4x128xi32, #tpu.memory_space<vmem>>)
      tpu.yield
    }) : () -> ()
    "tpu.region"() ({
      %run_scoped3A = tpu.sem_alloc : memref<!tpu.dma_semaphore, #tpu.memory_space<semaphore_mem>>
      tpu.enqueue_dma source(%arg8 : memref<16xf32, #tpu.memory_space<hbm>>) target(%arg21 : memref<16xf32, #tpu.memory_space<vmem>>) target_semaphore(%run_scoped3A : memref<!tpu.dma_semaphore, #tpu.memory_space<semaphore_mem>>)
      tpu.wait_dma2 semaphore(%run_scoped3A : memref<!tpu.dma_semaphore, #tpu.memory_space<semaphore_mem>>) src(%arg8 : memref<16xf32, #tpu.memory_space<hbm>>) dst(%arg21 : memref<16xf32, #tpu.memory_space<vmem>>)
      tpu.yield
    }) : () -> ()
    "tpu.region"() ({
      %run_scoped3A = tpu.sem_alloc : memref<!tpu.dma_semaphore, #tpu.memory_space<semaphore_mem>>
      tpu.enqueue_dma source(%arg9 : memref<16xf32, #tpu.memory_space<hbm>>) target(%arg22 : memref<16xf32, #tpu.memory_space<vmem>>) target_semaphore(%run_scoped3A : memref<!tpu.dma_semaphore, #tpu.memory_space<semaphore_mem>>)
      tpu.wait_dma2 semaphore(%run_scoped3A : memref<!tpu.dma_semaphore, #tpu.memory_space<semaphore_mem>>) src(%arg9 : memref<16xf32, #tpu.memory_space<hbm>>) dst(%arg22 : memref<16xf32, #tpu.memory_space<vmem>>)
      tpu.yield
    }) : () -> ()
    %dma_start3A = arith.constant 0 : i32
    %dma_start3A_7 = arith.constant 0 : i32
    %dma_start3A_8 = arith.constant 0 : i32
    %dma_start3A_9 = tpu.memref_slice %arg16[%dma_start3A_7, %dma_start3A_8] : memref<512x32xf32, #tpu.memory_space<vmem>> -> memref<128x32xf32, #tpu.memory_space<vmem>>
    %dma_start3A_10 = arith.constant 0 : i32
    %dma_start3A_11 = tpu.memref_slice %arg14[%dma_start3A, %dma_start3A_10] : memref<4x128xi32, #tpu.memory_space<vmem>> -> memref<1x128xi32, #tpu.memory_space<vmem>>
    %dma_start3A_12 = tpu.memref_squeeze %dma_start3A_11 : memref<1x128xi32, #tpu.memory_space<vmem>> -> memref<128xi32, #tpu.memory_space<vmem>>
    %dma_start3A_13 = arith.constant 0 : i32
    %dma_start3A_14 = arith.constant 0 : i32
    %dma_start3A_15 = tpu.memref_slice %arg4[%dma_start3A_13, %dma_start3A_14] : memref<1000000x32xf32, #tpu.memory_space<hbm>> -> memref<1000000x32xf32, #tpu.memory_space<hbm>>
    tpu.enqueue_indirect_dma source(%dma_start3A_15 : memref<1000000x32xf32, #tpu.memory_space<hbm>>) target(%dma_start3A_9 : memref<128x32xf32, #tpu.memory_space<vmem>>) offsets(%dma_start3A_12 : memref<128xi32, #tpu.memory_space<vmem>>) semaphore(%arg23 : memref<!tpu.dma_semaphore, #tpu.memory_space<semaphore_mem>>)
    %dma_start3A_16 = arith.constant 0 : i32
    %dma_start3A_17 = arith.constant 0 : i32
    %dma_start3A_18 = arith.constant 0 : i32
    %dma_start3A_19 = tpu.memref_slice %arg17[%dma_start3A_17, %dma_start3A_18] : memref<512x32xf32, #tpu.memory_space<vmem>> -> memref<128x32xf32, #tpu.memory_space<vmem>>
    %dma_start3A_20 = arith.constant 0 : i32
    %dma_start3A_21 = tpu.memref_slice %arg15[%dma_start3A_16, %dma_start3A_20] : memref<4x128xi32, #tpu.memory_space<vmem>> -> memref<1x128xi32, #tpu.memory_space<vmem>>
    %dma_start3A_22 = tpu.memref_squeeze %dma_start3A_21 : memref<1x128xi32, #tpu.memory_space<vmem>> -> memref<128xi32, #tpu.memory_space<vmem>>
    %dma_start3A_23 = arith.constant 0 : i32
    %dma_start3A_24 = arith.constant 0 : i32
    %dma_start3A_25 = tpu.memref_slice %arg5[%dma_start3A_23, %dma_start3A_24] : memref<100000x32xf32, #tpu.memory_space<hbm>> -> memref<100000x32xf32, #tpu.memory_space<hbm>>
    tpu.enqueue_indirect_dma source(%dma_start3A_25 : memref<100000x32xf32, #tpu.memory_space<hbm>>) target(%dma_start3A_19 : memref<128x32xf32, #tpu.memory_space<vmem>>) offsets(%dma_start3A_22 : memref<128xi32, #tpu.memory_space<vmem>>) semaphore(%arg23 : memref<!tpu.dma_semaphore, #tpu.memory_space<semaphore_mem>>)
    %dma_start3A_26 = arith.constant 0 : i32
    %dma_start3A_27 = arith.constant 0 : i32
    %dma_start3A_28 = tpu.memref_slice %arg18[%dma_start3A_27] : memref<512xf32, #tpu.memory_space<vmem>> -> memref<128xf32, #tpu.memory_space<vmem>>
    %dma_start3A_29 = arith.constant 0 : i32
    %dma_start3A_30 = tpu.memref_slice %arg14[%dma_start3A_26, %dma_start3A_29] : memref<4x128xi32, #tpu.memory_space<vmem>> -> memref<1x128xi32, #tpu.memory_space<vmem>>
    %dma_start3A_31 = tpu.memref_squeeze %dma_start3A_30 : memref<1x128xi32, #tpu.memory_space<vmem>> -> memref<128xi32, #tpu.memory_space<vmem>>
    %dma_start3A_32 = arith.constant 0 : i32
    %dma_start3A_33 = tpu.memref_slice %arg6[%dma_start3A_32] : memref<1000000xf32, #tpu.memory_space<hbm>> -> memref<1000000xf32, #tpu.memory_space<hbm>>
    tpu.enqueue_indirect_dma source(%dma_start3A_33 : memref<1000000xf32, #tpu.memory_space<hbm>>) target(%dma_start3A_28 : memref<128xf32, #tpu.memory_space<vmem>>) offsets(%dma_start3A_31 : memref<128xi32, #tpu.memory_space<vmem>>) semaphore(%arg23 : memref<!tpu.dma_semaphore, #tpu.memory_space<semaphore_mem>>)
    %dma_start3A_34 = arith.constant 0 : i32
    %dma_start3A_35 = arith.constant 0 : i32
    %dma_start3A_36 = tpu.memref_slice %arg19[%dma_start3A_35] : memref<512xf32, #tpu.memory_space<vmem>> -> memref<128xf32, #tpu.memory_space<vmem>>
    %dma_start3A_37 = arith.constant 0 : i32
    %dma_start3A_38 = tpu.memref_slice %arg15[%dma_start3A_34, %dma_start3A_37] : memref<4x128xi32, #tpu.memory_space<vmem>> -> memref<1x128xi32, #tpu.memory_space<vmem>>
    %dma_start3A_39 = tpu.memref_squeeze %dma_start3A_38 : memref<1x128xi32, #tpu.memory_space<vmem>> -> memref<128xi32, #tpu.memory_space<vmem>>
    %dma_start3A_40 = arith.constant 0 : i32
    %dma_start3A_41 = tpu.memref_slice %arg7[%dma_start3A_40] : memref<100000xf32, #tpu.memory_space<hbm>> -> memref<100000xf32, #tpu.memory_space<hbm>>
    tpu.enqueue_indirect_dma source(%dma_start3A_41 : memref<100000xf32, #tpu.memory_space<hbm>>) target(%dma_start3A_36 : memref<128xf32, #tpu.memory_space<vmem>>) offsets(%dma_start3A_39 : memref<128xi32, #tpu.memory_space<vmem>>) semaphore(%arg23 : memref<!tpu.dma_semaphore, #tpu.memory_space<semaphore_mem>>)
    %dma_start3A_42 = arith.constant 1 : i32
    %dma_start3A_43 = arith.constant 128 : i32
    %dma_start3A_44 = arith.constant 0 : i32
    %dma_start3A_45 = tpu.memref_slice %arg16[%dma_start3A_43, %dma_start3A_44] : memref<512x32xf32, #tpu.memory_space<vmem>> -> memref<128x32xf32, #tpu.memory_space<vmem>>
    %dma_start3A_46 = arith.constant 0 : i32
    %dma_start3A_47 = tpu.memref_slice %arg14[%dma_start3A_42, %dma_start3A_46] : memref<4x128xi32, #tpu.memory_space<vmem>> -> memref<1x128xi32, #tpu.memory_space<vmem>>
    %dma_start3A_48 = tpu.memref_squeeze %dma_start3A_47 : memref<1x128xi32, #tpu.memory_space<vmem>> -> memref<128xi32, #tpu.memory_space<vmem>>
    %dma_start3A_49 = arith.constant 0 : i32
    %dma_start3A_50 = arith.constant 0 : i32
    %dma_start3A_51 = tpu.memref_slice %arg4[%dma_start3A_49, %dma_start3A_50] : memref<1000000x32xf32, #tpu.memory_space<hbm>> -> memref<1000000x32xf32, #tpu.memory_space<hbm>>
    tpu.enqueue_indirect_dma source(%dma_start3A_51 : memref<1000000x32xf32, #tpu.memory_space<hbm>>) target(%dma_start3A_45 : memref<128x32xf32, #tpu.memory_space<vmem>>) offsets(%dma_start3A_48 : memref<128xi32, #tpu.memory_space<vmem>>) semaphore(%arg23 : memref<!tpu.dma_semaphore, #tpu.memory_space<semaphore_mem>>)
    %dma_start3A_52 = arith.constant 1 : i32
    %dma_start3A_53 = arith.constant 128 : i32
    %dma_start3A_54 = arith.constant 0 : i32
    %dma_start3A_55 = tpu.memref_slice %arg17[%dma_start3A_53, %dma_start3A_54] : memref<512x32xf32, #tpu.memory_space<vmem>> -> memref<128x32xf32, #tpu.memory_space<vmem>>
    %dma_start3A_56 = arith.constant 0 : i32
    %dma_start3A_57 = tpu.memref_slice %arg15[%dma_start3A_52, %dma_start3A_56] : memref<4x128xi32, #tpu.memory_space<vmem>> -> memref<1x128xi32, #tpu.memory_space<vmem>>
    %dma_start3A_58 = tpu.memref_squeeze %dma_start3A_57 : memref<1x128xi32, #tpu.memory_space<vmem>> -> memref<128xi32, #tpu.memory_space<vmem>>
    %dma_start3A_59 = arith.constant 0 : i32
    %dma_start3A_60 = arith.constant 0 : i32
    %dma_start3A_61 = tpu.memref_slice %arg5[%dma_start3A_59, %dma_start3A_60] : memref<100000x32xf32, #tpu.memory_space<hbm>> -> memref<100000x32xf32, #tpu.memory_space<hbm>>
    tpu.enqueue_indirect_dma source(%dma_start3A_61 : memref<100000x32xf32, #tpu.memory_space<hbm>>) target(%dma_start3A_55 : memref<128x32xf32, #tpu.memory_space<vmem>>) offsets(%dma_start3A_58 : memref<128xi32, #tpu.memory_space<vmem>>) semaphore(%arg23 : memref<!tpu.dma_semaphore, #tpu.memory_space<semaphore_mem>>)
    %dma_start3A_62 = arith.constant 1 : i32
    %dma_start3A_63 = arith.constant 128 : i32
    %dma_start3A_64 = tpu.memref_slice %arg18[%dma_start3A_63] : memref<512xf32, #tpu.memory_space<vmem>> -> memref<128xf32, #tpu.memory_space<vmem>>
    %dma_start3A_65 = arith.constant 0 : i32
    %dma_start3A_66 = tpu.memref_slice %arg14[%dma_start3A_62, %dma_start3A_65] : memref<4x128xi32, #tpu.memory_space<vmem>> -> memref<1x128xi32, #tpu.memory_space<vmem>>
    %dma_start3A_67 = tpu.memref_squeeze %dma_start3A_66 : memref<1x128xi32, #tpu.memory_space<vmem>> -> memref<128xi32, #tpu.memory_space<vmem>>
    %dma_start3A_68 = arith.constant 0 : i32
    %dma_start3A_69 = tpu.memref_slice %arg6[%dma_start3A_68] : memref<1000000xf32, #tpu.memory_space<hbm>> -> memref<1000000xf32, #tpu.memory_space<hbm>>
    tpu.enqueue_indirect_dma source(%dma_start3A_69 : memref<1000000xf32, #tpu.memory_space<hbm>>) target(%dma_start3A_64 : memref<128xf32, #tpu.memory_space<vmem>>) offsets(%dma_start3A_67 : memref<128xi32, #tpu.memory_space<vmem>>) semaphore(%arg23 : memref<!tpu.dma_semaphore, #tpu.memory_space<semaphore_mem>>)
    %dma_start3A_70 = arith.constant 1 : i32
    %dma_start3A_71 = arith.constant 128 : i32
    %dma_start3A_72 = tpu.memref_slice %arg19[%dma_start3A_71] : memref<512xf32, #tpu.memory_space<vmem>> -> memref<128xf32, #tpu.memory_space<vmem>>
    %dma_start3A_73 = arith.constant 0 : i32
    %dma_start3A_74 = tpu.memref_slice %arg15[%dma_start3A_70, %dma_start3A_73] : memref<4x128xi32, #tpu.memory_space<vmem>> -> memref<1x128xi32, #tpu.memory_space<vmem>>
    %dma_start3A_75 = tpu.memref_squeeze %dma_start3A_74 : memref<1x128xi32, #tpu.memory_space<vmem>> -> memref<128xi32, #tpu.memory_space<vmem>>
    %dma_start3A_76 = arith.constant 0 : i32
    %dma_start3A_77 = tpu.memref_slice %arg7[%dma_start3A_76] : memref<100000xf32, #tpu.memory_space<hbm>> -> memref<100000xf32, #tpu.memory_space<hbm>>
    tpu.enqueue_indirect_dma source(%dma_start3A_77 : memref<100000xf32, #tpu.memory_space<hbm>>) target(%dma_start3A_72 : memref<128xf32, #tpu.memory_space<vmem>>) offsets(%dma_start3A_75 : memref<128xi32, #tpu.memory_space<vmem>>) semaphore(%arg23 : memref<!tpu.dma_semaphore, #tpu.memory_space<semaphore_mem>>)
    %dma_start3A_78 = arith.constant 2 : i32
    %dma_start3A_79 = arith.constant 256 : i32
    %dma_start3A_80 = arith.constant 0 : i32
    %dma_start3A_81 = tpu.memref_slice %arg16[%dma_start3A_79, %dma_start3A_80] : memref<512x32xf32, #tpu.memory_space<vmem>> -> memref<128x32xf32, #tpu.memory_space<vmem>>
    %dma_start3A_82 = arith.constant 0 : i32
    %dma_start3A_83 = tpu.memref_slice %arg14[%dma_start3A_78, %dma_start3A_82] : memref<4x128xi32, #tpu.memory_space<vmem>> -> memref<1x128xi32, #tpu.memory_space<vmem>>
    %dma_start3A_84 = tpu.memref_squeeze %dma_start3A_83 : memref<1x128xi32, #tpu.memory_space<vmem>> -> memref<128xi32, #tpu.memory_space<vmem>>
    %dma_start3A_85 = arith.constant 0 : i32
    %dma_start3A_86 = arith.constant 0 : i32
    %dma_start3A_87 = tpu.memref_slice %arg4[%dma_start3A_85, %dma_start3A_86] : memref<1000000x32xf32, #tpu.memory_space<hbm>> -> memref<1000000x32xf32, #tpu.memory_space<hbm>>
    tpu.enqueue_indirect_dma source(%dma_start3A_87 : memref<1000000x32xf32, #tpu.memory_space<hbm>>) target(%dma_start3A_81 : memref<128x32xf32, #tpu.memory_space<vmem>>) offsets(%dma_start3A_84 : memref<128xi32, #tpu.memory_space<vmem>>) semaphore(%arg23 : memref<!tpu.dma_semaphore, #tpu.memory_space<semaphore_mem>>)
    %dma_start3A_88 = arith.constant 2 : i32
    %dma_start3A_89 = arith.constant 256 : i32
    %dma_start3A_90 = arith.constant 0 : i32
    %dma_start3A_91 = tpu.memref_slice %arg17[%dma_start3A_89, %dma_start3A_90] : memref<512x32xf32, #tpu.memory_space<vmem>> -> memref<128x32xf32, #tpu.memory_space<vmem>>
    %dma_start3A_92 = arith.constant 0 : i32
    %dma_start3A_93 = tpu.memref_slice %arg15[%dma_start3A_88, %dma_start3A_92] : memref<4x128xi32, #tpu.memory_space<vmem>> -> memref<1x128xi32, #tpu.memory_space<vmem>>
    %dma_start3A_94 = tpu.memref_squeeze %dma_start3A_93 : memref<1x128xi32, #tpu.memory_space<vmem>> -> memref<128xi32, #tpu.memory_space<vmem>>
    %dma_start3A_95 = arith.constant 0 : i32
    %dma_start3A_96 = arith.constant 0 : i32
    %dma_start3A_97 = tpu.memref_slice %arg5[%dma_start3A_95, %dma_start3A_96] : memref<100000x32xf32, #tpu.memory_space<hbm>> -> memref<100000x32xf32, #tpu.memory_space<hbm>>
    tpu.enqueue_indirect_dma source(%dma_start3A_97 : memref<100000x32xf32, #tpu.memory_space<hbm>>) target(%dma_start3A_91 : memref<128x32xf32, #tpu.memory_space<vmem>>) offsets(%dma_start3A_94 : memref<128xi32, #tpu.memory_space<vmem>>) semaphore(%arg23 : memref<!tpu.dma_semaphore, #tpu.memory_space<semaphore_mem>>)
    %dma_start3A_98 = arith.constant 2 : i32
    %dma_start3A_99 = arith.constant 256 : i32
    %dma_start3A_100 = tpu.memref_slice %arg18[%dma_start3A_99] : memref<512xf32, #tpu.memory_space<vmem>> -> memref<128xf32, #tpu.memory_space<vmem>>
    %dma_start3A_101 = arith.constant 0 : i32
    %dma_start3A_102 = tpu.memref_slice %arg14[%dma_start3A_98, %dma_start3A_101] : memref<4x128xi32, #tpu.memory_space<vmem>> -> memref<1x128xi32, #tpu.memory_space<vmem>>
    %dma_start3A_103 = tpu.memref_squeeze %dma_start3A_102 : memref<1x128xi32, #tpu.memory_space<vmem>> -> memref<128xi32, #tpu.memory_space<vmem>>
    %dma_start3A_104 = arith.constant 0 : i32
    %dma_start3A_105 = tpu.memref_slice %arg6[%dma_start3A_104] : memref<1000000xf32, #tpu.memory_space<hbm>> -> memref<1000000xf32, #tpu.memory_space<hbm>>
    tpu.enqueue_indirect_dma source(%dma_start3A_105 : memref<1000000xf32, #tpu.memory_space<hbm>>) target(%dma_start3A_100 : memref<128xf32, #tpu.memory_space<vmem>>) offsets(%dma_start3A_103 : memref<128xi32, #tpu.memory_space<vmem>>) semaphore(%arg23 : memref<!tpu.dma_semaphore, #tpu.memory_space<semaphore_mem>>)
    %dma_start3A_106 = arith.constant 2 : i32
    %dma_start3A_107 = arith.constant 256 : i32
    %dma_start3A_108 = tpu.memref_slice %arg19[%dma_start3A_107] : memref<512xf32, #tpu.memory_space<vmem>> -> memref<128xf32, #tpu.memory_space<vmem>>
    %dma_start3A_109 = arith.constant 0 : i32
    %dma_start3A_110 = tpu.memref_slice %arg15[%dma_start3A_106, %dma_start3A_109] : memref<4x128xi32, #tpu.memory_space<vmem>> -> memref<1x128xi32, #tpu.memory_space<vmem>>
    %dma_start3A_111 = tpu.memref_squeeze %dma_start3A_110 : memref<1x128xi32, #tpu.memory_space<vmem>> -> memref<128xi32, #tpu.memory_space<vmem>>
    %dma_start3A_112 = arith.constant 0 : i32
    %dma_start3A_113 = tpu.memref_slice %arg7[%dma_start3A_112] : memref<100000xf32, #tpu.memory_space<hbm>> -> memref<100000xf32, #tpu.memory_space<hbm>>
    tpu.enqueue_indirect_dma source(%dma_start3A_113 : memref<100000xf32, #tpu.memory_space<hbm>>) target(%dma_start3A_108 : memref<128xf32, #tpu.memory_space<vmem>>) offsets(%dma_start3A_111 : memref<128xi32, #tpu.memory_space<vmem>>) semaphore(%arg23 : memref<!tpu.dma_semaphore, #tpu.memory_space<semaphore_mem>>)
    %dma_start3A_114 = arith.constant 3 : i32
    %dma_start3A_115 = arith.constant 384 : i32
    %dma_start3A_116 = arith.constant 0 : i32
    %dma_start3A_117 = tpu.memref_slice %arg16[%dma_start3A_115, %dma_start3A_116] : memref<512x32xf32, #tpu.memory_space<vmem>> -> memref<128x32xf32, #tpu.memory_space<vmem>>
    %dma_start3A_118 = arith.constant 0 : i32
    %dma_start3A_119 = tpu.memref_slice %arg14[%dma_start3A_114, %dma_start3A_118] : memref<4x128xi32, #tpu.memory_space<vmem>> -> memref<1x128xi32, #tpu.memory_space<vmem>>
    %dma_start3A_120 = tpu.memref_squeeze %dma_start3A_119 : memref<1x128xi32, #tpu.memory_space<vmem>> -> memref<128xi32, #tpu.memory_space<vmem>>
    %dma_start3A_121 = arith.constant 0 : i32
    %dma_start3A_122 = arith.constant 0 : i32
    %dma_start3A_123 = tpu.memref_slice %arg4[%dma_start3A_121, %dma_start3A_122] : memref<1000000x32xf32, #tpu.memory_space<hbm>> -> memref<1000000x32xf32, #tpu.memory_space<hbm>>
    tpu.enqueue_indirect_dma source(%dma_start3A_123 : memref<1000000x32xf32, #tpu.memory_space<hbm>>) target(%dma_start3A_117 : memref<128x32xf32, #tpu.memory_space<vmem>>) offsets(%dma_start3A_120 : memref<128xi32, #tpu.memory_space<vmem>>) semaphore(%arg23 : memref<!tpu.dma_semaphore, #tpu.memory_space<semaphore_mem>>)
    %dma_start3A_124 = arith.constant 3 : i32
    %dma_start3A_125 = arith.constant 384 : i32
    %dma_start3A_126 = arith.constant 0 : i32
    %dma_start3A_127 = tpu.memref_slice %arg17[%dma_start3A_125, %dma_start3A_126] : memref<512x32xf32, #tpu.memory_space<vmem>> -> memref<128x32xf32, #tpu.memory_space<vmem>>
    %dma_start3A_128 = arith.constant 0 : i32
    %dma_start3A_129 = tpu.memref_slice %arg15[%dma_start3A_124, %dma_start3A_128] : memref<4x128xi32, #tpu.memory_space<vmem>> -> memref<1x128xi32, #tpu.memory_space<vmem>>
    %dma_start3A_130 = tpu.memref_squeeze %dma_start3A_129 : memref<1x128xi32, #tpu.memory_space<vmem>> -> memref<128xi32, #tpu.memory_space<vmem>>
    %dma_start3A_131 = arith.constant 0 : i32
    %dma_start3A_132 = arith.constant 0 : i32
    %dma_start3A_133 = tpu.memref_slice %arg5[%dma_start3A_131, %dma_start3A_132] : memref<100000x32xf32, #tpu.memory_space<hbm>> -> memref<100000x32xf32, #tpu.memory_space<hbm>>
    tpu.enqueue_indirect_dma source(%dma_start3A_133 : memref<100000x32xf32, #tpu.memory_space<hbm>>) target(%dma_start3A_127 : memref<128x32xf32, #tpu.memory_space<vmem>>) offsets(%dma_start3A_130 : memref<128xi32, #tpu.memory_space<vmem>>) semaphore(%arg23 : memref<!tpu.dma_semaphore, #tpu.memory_space<semaphore_mem>>)
    %dma_start3A_134 = arith.constant 3 : i32
    %dma_start3A_135 = arith.constant 384 : i32
    %dma_start3A_136 = tpu.memref_slice %arg18[%dma_start3A_135] : memref<512xf32, #tpu.memory_space<vmem>> -> memref<128xf32, #tpu.memory_space<vmem>>
    %dma_start3A_137 = arith.constant 0 : i32
    %dma_start3A_138 = tpu.memref_slice %arg14[%dma_start3A_134, %dma_start3A_137] : memref<4x128xi32, #tpu.memory_space<vmem>> -> memref<1x128xi32, #tpu.memory_space<vmem>>
    %dma_start3A_139 = tpu.memref_squeeze %dma_start3A_138 : memref<1x128xi32, #tpu.memory_space<vmem>> -> memref<128xi32, #tpu.memory_space<vmem>>
    %dma_start3A_140 = arith.constant 0 : i32
    %dma_start3A_141 = tpu.memref_slice %arg6[%dma_start3A_140] : memref<1000000xf32, #tpu.memory_space<hbm>> -> memref<1000000xf32, #tpu.memory_space<hbm>>
    tpu.enqueue_indirect_dma source(%dma_start3A_141 : memref<1000000xf32, #tpu.memory_space<hbm>>) target(%dma_start3A_136 : memref<128xf32, #tpu.memory_space<vmem>>) offsets(%dma_start3A_139 : memref<128xi32, #tpu.memory_space<vmem>>) semaphore(%arg23 : memref<!tpu.dma_semaphore, #tpu.memory_space<semaphore_mem>>)
    %dma_start3A_142 = arith.constant 3 : i32
    %dma_start3A_143 = arith.constant 384 : i32
    %dma_start3A_144 = tpu.memref_slice %arg19[%dma_start3A_143] : memref<512xf32, #tpu.memory_space<vmem>> -> memref<128xf32, #tpu.memory_space<vmem>>
    %dma_start3A_145 = arith.constant 0 : i32
    %dma_start3A_146 = tpu.memref_slice %arg15[%dma_start3A_142, %dma_start3A_145] : memref<4x128xi32, #tpu.memory_space<vmem>> -> memref<1x128xi32, #tpu.memory_space<vmem>>
    %dma_start3A_147 = tpu.memref_squeeze %dma_start3A_146 : memref<1x128xi32, #tpu.memory_space<vmem>> -> memref<128xi32, #tpu.memory_space<vmem>>
    %dma_start3A_148 = arith.constant 0 : i32
    %dma_start3A_149 = tpu.memref_slice %arg7[%dma_start3A_148] : memref<100000xf32, #tpu.memory_space<hbm>> -> memref<100000xf32, #tpu.memory_space<hbm>>
    tpu.enqueue_indirect_dma source(%dma_start3A_149 : memref<100000xf32, #tpu.memory_space<hbm>>) target(%dma_start3A_144 : memref<128xf32, #tpu.memory_space<vmem>>) offsets(%dma_start3A_147 : memref<128xi32, #tpu.memory_space<vmem>>) semaphore(%arg23 : memref<!tpu.dma_semaphore, #tpu.memory_space<semaphore_mem>>)
    %dma_wait3A = arith.constant 0 : i32
    %dma_wait3A_150 = arith.constant 0 : i32
    %dma_wait3A_151 = arith.constant 0 : i32
    %dma_wait3A_152 = tpu.memref_slice %arg16[%dma_wait3A_150, %dma_wait3A_151] : memref<512x32xf32, #tpu.memory_space<vmem>> -> memref<128x32xf32, #tpu.memory_space<vmem>>
    %dma_wait3A_153 = arith.constant 0 : i32
    %dma_wait3A_154 = tpu.memref_slice %arg14[%dma_wait3A, %dma_wait3A_153] : memref<4x128xi32, #tpu.memory_space<vmem>> -> memref<1x128xi32, #tpu.memory_space<vmem>>
    %dma_wait3A_155 = tpu.memref_squeeze %dma_wait3A_154 : memref<1x128xi32, #tpu.memory_space<vmem>> -> memref<128xi32, #tpu.memory_space<vmem>>
    %dma_wait3A_156 = arith.constant 0 : i32
    %dma_wait3A_157 = arith.constant 0 : i32
    %dma_wait3A_158 = tpu.memref_slice %arg4[%dma_wait3A_156, %dma_wait3A_157] : memref<1000000x32xf32, #tpu.memory_space<hbm>> -> memref<1000000x32xf32, #tpu.memory_space<hbm>>
    tpu.wait_indirect_dma semaphore(%arg23 : memref<!tpu.dma_semaphore, #tpu.memory_space<semaphore_mem>>) src(%dma_wait3A_158 : memref<1000000x32xf32, #tpu.memory_space<hbm>>) dst(%dma_wait3A_152 : memref<128x32xf32, #tpu.memory_space<vmem>>)
    %dma_wait3A_159 = arith.constant 0 : i32
    %dma_wait3A_160 = arith.constant 0 : i32
    %dma_wait3A_161 = arith.constant 0 : i32
    %dma_wait3A_162 = tpu.memref_slice %arg17[%dma_wait3A_160, %dma_wait3A_161] : memref<512x32xf32, #tpu.memory_space<vmem>> -> memref<128x32xf32, #tpu.memory_space<vmem>>
    %dma_wait3A_163 = arith.constant 0 : i32
    %dma_wait3A_164 = tpu.memref_slice %arg15[%dma_wait3A_159, %dma_wait3A_163] : memref<4x128xi32, #tpu.memory_space<vmem>> -> memref<1x128xi32, #tpu.memory_space<vmem>>
    %dma_wait3A_165 = tpu.memref_squeeze %dma_wait3A_164 : memref<1x128xi32, #tpu.memory_space<vmem>> -> memref<128xi32, #tpu.memory_space<vmem>>
    %dma_wait3A_166 = arith.constant 0 : i32
    %dma_wait3A_167 = arith.constant 0 : i32
    %dma_wait3A_168 = tpu.memref_slice %arg5[%dma_wait3A_166, %dma_wait3A_167] : memref<100000x32xf32, #tpu.memory_space<hbm>> -> memref<100000x32xf32, #tpu.memory_space<hbm>>
    tpu.wait_indirect_dma semaphore(%arg23 : memref<!tpu.dma_semaphore, #tpu.memory_space<semaphore_mem>>) src(%dma_wait3A_168 : memref<100000x32xf32, #tpu.memory_space<hbm>>) dst(%dma_wait3A_162 : memref<128x32xf32, #tpu.memory_space<vmem>>)
    %dma_wait3A_169 = arith.constant 0 : i32
    %dma_wait3A_170 = arith.constant 0 : i32
    %dma_wait3A_171 = tpu.memref_slice %arg18[%dma_wait3A_170] : memref<512xf32, #tpu.memory_space<vmem>> -> memref<128xf32, #tpu.memory_space<vmem>>
    %dma_wait3A_172 = arith.constant 0 : i32
    %dma_wait3A_173 = tpu.memref_slice %arg14[%dma_wait3A_169, %dma_wait3A_172] : memref<4x128xi32, #tpu.memory_space<vmem>> -> memref<1x128xi32, #tpu.memory_space<vmem>>
    %dma_wait3A_174 = tpu.memref_squeeze %dma_wait3A_173 : memref<1x128xi32, #tpu.memory_space<vmem>> -> memref<128xi32, #tpu.memory_space<vmem>>
    %dma_wait3A_175 = arith.constant 0 : i32
    %dma_wait3A_176 = tpu.memref_slice %arg6[%dma_wait3A_175] : memref<1000000xf32, #tpu.memory_space<hbm>> -> memref<1000000xf32, #tpu.memory_space<hbm>>
    tpu.wait_indirect_dma semaphore(%arg23 : memref<!tpu.dma_semaphore, #tpu.memory_space<semaphore_mem>>) src(%dma_wait3A_176 : memref<1000000xf32, #tpu.memory_space<hbm>>) dst(%dma_wait3A_171 : memref<128xf32, #tpu.memory_space<vmem>>)
    %dma_wait3A_177 = arith.constant 0 : i32
    %dma_wait3A_178 = arith.constant 0 : i32
    %dma_wait3A_179 = tpu.memref_slice %arg19[%dma_wait3A_178] : memref<512xf32, #tpu.memory_space<vmem>> -> memref<128xf32, #tpu.memory_space<vmem>>
    %dma_wait3A_180 = arith.constant 0 : i32
    %dma_wait3A_181 = tpu.memref_slice %arg15[%dma_wait3A_177, %dma_wait3A_180] : memref<4x128xi32, #tpu.memory_space<vmem>> -> memref<1x128xi32, #tpu.memory_space<vmem>>
    %dma_wait3A_182 = tpu.memref_squeeze %dma_wait3A_181 : memref<1x128xi32, #tpu.memory_space<vmem>> -> memref<128xi32, #tpu.memory_space<vmem>>
    %dma_wait3A_183 = arith.constant 0 : i32
    %dma_wait3A_184 = tpu.memref_slice %arg7[%dma_wait3A_183] : memref<100000xf32, #tpu.memory_space<hbm>> -> memref<100000xf32, #tpu.memory_space<hbm>>
    tpu.wait_indirect_dma semaphore(%arg23 : memref<!tpu.dma_semaphore, #tpu.memory_space<semaphore_mem>>) src(%dma_wait3A_184 : memref<100000xf32, #tpu.memory_space<hbm>>) dst(%dma_wait3A_179 : memref<128xf32, #tpu.memory_space<vmem>>)
    %dma_wait3A_185 = arith.constant 1 : i32
    %dma_wait3A_186 = arith.constant 128 : i32
    %dma_wait3A_187 = arith.constant 0 : i32
    %dma_wait3A_188 = tpu.memref_slice %arg16[%dma_wait3A_186, %dma_wait3A_187] : memref<512x32xf32, #tpu.memory_space<vmem>> -> memref<128x32xf32, #tpu.memory_space<vmem>>
    %dma_wait3A_189 = arith.constant 0 : i32
    %dma_wait3A_190 = tpu.memref_slice %arg14[%dma_wait3A_185, %dma_wait3A_189] : memref<4x128xi32, #tpu.memory_space<vmem>> -> memref<1x128xi32, #tpu.memory_space<vmem>>
    %dma_wait3A_191 = tpu.memref_squeeze %dma_wait3A_190 : memref<1x128xi32, #tpu.memory_space<vmem>> -> memref<128xi32, #tpu.memory_space<vmem>>
    %dma_wait3A_192 = arith.constant 0 : i32
    %dma_wait3A_193 = arith.constant 0 : i32
    %dma_wait3A_194 = tpu.memref_slice %arg4[%dma_wait3A_192, %dma_wait3A_193] : memref<1000000x32xf32, #tpu.memory_space<hbm>> -> memref<1000000x32xf32, #tpu.memory_space<hbm>>
    tpu.wait_indirect_dma semaphore(%arg23 : memref<!tpu.dma_semaphore, #tpu.memory_space<semaphore_mem>>) src(%dma_wait3A_194 : memref<1000000x32xf32, #tpu.memory_space<hbm>>) dst(%dma_wait3A_188 : memref<128x32xf32, #tpu.memory_space<vmem>>)
    %dma_wait3A_195 = arith.constant 1 : i32
    %dma_wait3A_196 = arith.constant 128 : i32
    %dma_wait3A_197 = arith.constant 0 : i32
    %dma_wait3A_198 = tpu.memref_slice %arg17[%dma_wait3A_196, %dma_wait3A_197] : memref<512x32xf32, #tpu.memory_space<vmem>> -> memref<128x32xf32, #tpu.memory_space<vmem>>
    %dma_wait3A_199 = arith.constant 0 : i32
    %dma_wait3A_200 = tpu.memref_slice %arg15[%dma_wait3A_195, %dma_wait3A_199] : memref<4x128xi32, #tpu.memory_space<vmem>> -> memref<1x128xi32, #tpu.memory_space<vmem>>
    %dma_wait3A_201 = tpu.memref_squeeze %dma_wait3A_200 : memref<1x128xi32, #tpu.memory_space<vmem>> -> memref<128xi32, #tpu.memory_space<vmem>>
    %dma_wait3A_202 = arith.constant 0 : i32
    %dma_wait3A_203 = arith.constant 0 : i32
    %dma_wait3A_204 = tpu.memref_slice %arg5[%dma_wait3A_202, %dma_wait3A_203] : memref<100000x32xf32, #tpu.memory_space<hbm>> -> memref<100000x32xf32, #tpu.memory_space<hbm>>
    tpu.wait_indirect_dma semaphore(%arg23 : memref<!tpu.dma_semaphore, #tpu.memory_space<semaphore_mem>>) src(%dma_wait3A_204 : memref<100000x32xf32, #tpu.memory_space<hbm>>) dst(%dma_wait3A_198 : memref<128x32xf32, #tpu.memory_space<vmem>>)
    %dma_wait3A_205 = arith.constant 1 : i32
    %dma_wait3A_206 = arith.constant 128 : i32
    %dma_wait3A_207 = tpu.memref_slice %arg18[%dma_wait3A_206] : memref<512xf32, #tpu.memory_space<vmem>> -> memref<128xf32, #tpu.memory_space<vmem>>
    %dma_wait3A_208 = arith.constant 0 : i32
    %dma_wait3A_209 = tpu.memref_slice %arg14[%dma_wait3A_205, %dma_wait3A_208] : memref<4x128xi32, #tpu.memory_space<vmem>> -> memref<1x128xi32, #tpu.memory_space<vmem>>
    %dma_wait3A_210 = tpu.memref_squeeze %dma_wait3A_209 : memref<1x128xi32, #tpu.memory_space<vmem>> -> memref<128xi32, #tpu.memory_space<vmem>>
    %dma_wait3A_211 = arith.constant 0 : i32
    %dma_wait3A_212 = tpu.memref_slice %arg6[%dma_wait3A_211] : memref<1000000xf32, #tpu.memory_space<hbm>> -> memref<1000000xf32, #tpu.memory_space<hbm>>
    tpu.wait_indirect_dma semaphore(%arg23 : memref<!tpu.dma_semaphore, #tpu.memory_space<semaphore_mem>>) src(%dma_wait3A_212 : memref<1000000xf32, #tpu.memory_space<hbm>>) dst(%dma_wait3A_207 : memref<128xf32, #tpu.memory_space<vmem>>)
    %dma_wait3A_213 = arith.constant 1 : i32
    %dma_wait3A_214 = arith.constant 128 : i32
    %dma_wait3A_215 = tpu.memref_slice %arg19[%dma_wait3A_214] : memref<512xf32, #tpu.memory_space<vmem>> -> memref<128xf32, #tpu.memory_space<vmem>>
    %dma_wait3A_216 = arith.constant 0 : i32
    %dma_wait3A_217 = tpu.memref_slice %arg15[%dma_wait3A_213, %dma_wait3A_216] : memref<4x128xi32, #tpu.memory_space<vmem>> -> memref<1x128xi32, #tpu.memory_space<vmem>>
    %dma_wait3A_218 = tpu.memref_squeeze %dma_wait3A_217 : memref<1x128xi32, #tpu.memory_space<vmem>> -> memref<128xi32, #tpu.memory_space<vmem>>
    %dma_wait3A_219 = arith.constant 0 : i32
    %dma_wait3A_220 = tpu.memref_slice %arg7[%dma_wait3A_219] : memref<100000xf32, #tpu.memory_space<hbm>> -> memref<100000xf32, #tpu.memory_space<hbm>>
    tpu.wait_indirect_dma semaphore(%arg23 : memref<!tpu.dma_semaphore, #tpu.memory_space<semaphore_mem>>) src(%dma_wait3A_220 : memref<100000xf32, #tpu.memory_space<hbm>>) dst(%dma_wait3A_215 : memref<128xf32, #tpu.memory_space<vmem>>)
    %dma_wait3A_221 = arith.constant 2 : i32
    %dma_wait3A_222 = arith.constant 256 : i32
    %dma_wait3A_223 = arith.constant 0 : i32
    %dma_wait3A_224 = tpu.memref_slice %arg16[%dma_wait3A_222, %dma_wait3A_223] : memref<512x32xf32, #tpu.memory_space<vmem>> -> memref<128x32xf32, #tpu.memory_space<vmem>>
    %dma_wait3A_225 = arith.constant 0 : i32
    %dma_wait3A_226 = tpu.memref_slice %arg14[%dma_wait3A_221, %dma_wait3A_225] : memref<4x128xi32, #tpu.memory_space<vmem>> -> memref<1x128xi32, #tpu.memory_space<vmem>>
    %dma_wait3A_227 = tpu.memref_squeeze %dma_wait3A_226 : memref<1x128xi32, #tpu.memory_space<vmem>> -> memref<128xi32, #tpu.memory_space<vmem>>
    %dma_wait3A_228 = arith.constant 0 : i32
    %dma_wait3A_229 = arith.constant 0 : i32
    %dma_wait3A_230 = tpu.memref_slice %arg4[%dma_wait3A_228, %dma_wait3A_229] : memref<1000000x32xf32, #tpu.memory_space<hbm>> -> memref<1000000x32xf32, #tpu.memory_space<hbm>>
    tpu.wait_indirect_dma semaphore(%arg23 : memref<!tpu.dma_semaphore, #tpu.memory_space<semaphore_mem>>) src(%dma_wait3A_230 : memref<1000000x32xf32, #tpu.memory_space<hbm>>) dst(%dma_wait3A_224 : memref<128x32xf32, #tpu.memory_space<vmem>>)
    %dma_wait3A_231 = arith.constant 2 : i32
    %dma_wait3A_232 = arith.constant 256 : i32
    %dma_wait3A_233 = arith.constant 0 : i32
    %dma_wait3A_234 = tpu.memref_slice %arg17[%dma_wait3A_232, %dma_wait3A_233] : memref<512x32xf32, #tpu.memory_space<vmem>> -> memref<128x32xf32, #tpu.memory_space<vmem>>
    %dma_wait3A_235 = arith.constant 0 : i32
    %dma_wait3A_236 = tpu.memref_slice %arg15[%dma_wait3A_231, %dma_wait3A_235] : memref<4x128xi32, #tpu.memory_space<vmem>> -> memref<1x128xi32, #tpu.memory_space<vmem>>
    %dma_wait3A_237 = tpu.memref_squeeze %dma_wait3A_236 : memref<1x128xi32, #tpu.memory_space<vmem>> -> memref<128xi32, #tpu.memory_space<vmem>>
    %dma_wait3A_238 = arith.constant 0 : i32
    %dma_wait3A_239 = arith.constant 0 : i32
    %dma_wait3A_240 = tpu.memref_slice %arg5[%dma_wait3A_238, %dma_wait3A_239] : memref<100000x32xf32, #tpu.memory_space<hbm>> -> memref<100000x32xf32, #tpu.memory_space<hbm>>
    tpu.wait_indirect_dma semaphore(%arg23 : memref<!tpu.dma_semaphore, #tpu.memory_space<semaphore_mem>>) src(%dma_wait3A_240 : memref<100000x32xf32, #tpu.memory_space<hbm>>) dst(%dma_wait3A_234 : memref<128x32xf32, #tpu.memory_space<vmem>>)
    %dma_wait3A_241 = arith.constant 2 : i32
    %dma_wait3A_242 = arith.constant 256 : i32
    %dma_wait3A_243 = tpu.memref_slice %arg18[%dma_wait3A_242] : memref<512xf32, #tpu.memory_space<vmem>> -> memref<128xf32, #tpu.memory_space<vmem>>
    %dma_wait3A_244 = arith.constant 0 : i32
    %dma_wait3A_245 = tpu.memref_slice %arg14[%dma_wait3A_241, %dma_wait3A_244] : memref<4x128xi32, #tpu.memory_space<vmem>> -> memref<1x128xi32, #tpu.memory_space<vmem>>
    %dma_wait3A_246 = tpu.memref_squeeze %dma_wait3A_245 : memref<1x128xi32, #tpu.memory_space<vmem>> -> memref<128xi32, #tpu.memory_space<vmem>>
    %dma_wait3A_247 = arith.constant 0 : i32
    %dma_wait3A_248 = tpu.memref_slice %arg6[%dma_wait3A_247] : memref<1000000xf32, #tpu.memory_space<hbm>> -> memref<1000000xf32, #tpu.memory_space<hbm>>
    tpu.wait_indirect_dma semaphore(%arg23 : memref<!tpu.dma_semaphore, #tpu.memory_space<semaphore_mem>>) src(%dma_wait3A_248 : memref<1000000xf32, #tpu.memory_space<hbm>>) dst(%dma_wait3A_243 : memref<128xf32, #tpu.memory_space<vmem>>)
    %dma_wait3A_249 = arith.constant 2 : i32
    %dma_wait3A_250 = arith.constant 256 : i32
    %dma_wait3A_251 = tpu.memref_slice %arg19[%dma_wait3A_250] : memref<512xf32, #tpu.memory_space<vmem>> -> memref<128xf32, #tpu.memory_space<vmem>>
    %dma_wait3A_252 = arith.constant 0 : i32
    %dma_wait3A_253 = tpu.memref_slice %arg15[%dma_wait3A_249, %dma_wait3A_252] : memref<4x128xi32, #tpu.memory_space<vmem>> -> memref<1x128xi32, #tpu.memory_space<vmem>>
    %dma_wait3A_254 = tpu.memref_squeeze %dma_wait3A_253 : memref<1x128xi32, #tpu.memory_space<vmem>> -> memref<128xi32, #tpu.memory_space<vmem>>
    %dma_wait3A_255 = arith.constant 0 : i32
    %dma_wait3A_256 = tpu.memref_slice %arg7[%dma_wait3A_255] : memref<100000xf32, #tpu.memory_space<hbm>> -> memref<100000xf32, #tpu.memory_space<hbm>>
    tpu.wait_indirect_dma semaphore(%arg23 : memref<!tpu.dma_semaphore, #tpu.memory_space<semaphore_mem>>) src(%dma_wait3A_256 : memref<100000xf32, #tpu.memory_space<hbm>>) dst(%dma_wait3A_251 : memref<128xf32, #tpu.memory_space<vmem>>)
    %dma_wait3A_257 = arith.constant 3 : i32
    %dma_wait3A_258 = arith.constant 384 : i32
    %dma_wait3A_259 = arith.constant 0 : i32
    %dma_wait3A_260 = tpu.memref_slice %arg16[%dma_wait3A_258, %dma_wait3A_259] : memref<512x32xf32, #tpu.memory_space<vmem>> -> memref<128x32xf32, #tpu.memory_space<vmem>>
    %dma_wait3A_261 = arith.constant 0 : i32
    %dma_wait3A_262 = tpu.memref_slice %arg14[%dma_wait3A_257, %dma_wait3A_261] : memref<4x128xi32, #tpu.memory_space<vmem>> -> memref<1x128xi32, #tpu.memory_space<vmem>>
    %dma_wait3A_263 = tpu.memref_squeeze %dma_wait3A_262 : memref<1x128xi32, #tpu.memory_space<vmem>> -> memref<128xi32, #tpu.memory_space<vmem>>
    %dma_wait3A_264 = arith.constant 0 : i32
    %dma_wait3A_265 = arith.constant 0 : i32
    %dma_wait3A_266 = tpu.memref_slice %arg4[%dma_wait3A_264, %dma_wait3A_265] : memref<1000000x32xf32, #tpu.memory_space<hbm>> -> memref<1000000x32xf32, #tpu.memory_space<hbm>>
    tpu.wait_indirect_dma semaphore(%arg23 : memref<!tpu.dma_semaphore, #tpu.memory_space<semaphore_mem>>) src(%dma_wait3A_266 : memref<1000000x32xf32, #tpu.memory_space<hbm>>) dst(%dma_wait3A_260 : memref<128x32xf32, #tpu.memory_space<vmem>>)
    %dma_wait3A_267 = arith.constant 3 : i32
    %dma_wait3A_268 = arith.constant 384 : i32
    %dma_wait3A_269 = arith.constant 0 : i32
    %dma_wait3A_270 = tpu.memref_slice %arg17[%dma_wait3A_268, %dma_wait3A_269] : memref<512x32xf32, #tpu.memory_space<vmem>> -> memref<128x32xf32, #tpu.memory_space<vmem>>
    %dma_wait3A_271 = arith.constant 0 : i32
    %dma_wait3A_272 = tpu.memref_slice %arg15[%dma_wait3A_267, %dma_wait3A_271] : memref<4x128xi32, #tpu.memory_space<vmem>> -> memref<1x128xi32, #tpu.memory_space<vmem>>
    %dma_wait3A_273 = tpu.memref_squeeze %dma_wait3A_272 : memref<1x128xi32, #tpu.memory_space<vmem>> -> memref<128xi32, #tpu.memory_space<vmem>>
    %dma_wait3A_274 = arith.constant 0 : i32
    %dma_wait3A_275 = arith.constant 0 : i32
    %dma_wait3A_276 = tpu.memref_slice %arg5[%dma_wait3A_274, %dma_wait3A_275] : memref<100000x32xf32, #tpu.memory_space<hbm>> -> memref<100000x32xf32, #tpu.memory_space<hbm>>
    tpu.wait_indirect_dma semaphore(%arg23 : memref<!tpu.dma_semaphore, #tpu.memory_space<semaphore_mem>>) src(%dma_wait3A_276 : memref<100000x32xf32, #tpu.memory_space<hbm>>) dst(%dma_wait3A_270 : memref<128x32xf32, #tpu.memory_space<vmem>>)
    %dma_wait3A_277 = arith.constant 3 : i32
    %dma_wait3A_278 = arith.constant 384 : i32
    %dma_wait3A_279 = tpu.memref_slice %arg18[%dma_wait3A_278] : memref<512xf32, #tpu.memory_space<vmem>> -> memref<128xf32, #tpu.memory_space<vmem>>
    %dma_wait3A_280 = arith.constant 0 : i32
    %dma_wait3A_281 = tpu.memref_slice %arg14[%dma_wait3A_277, %dma_wait3A_280] : memref<4x128xi32, #tpu.memory_space<vmem>> -> memref<1x128xi32, #tpu.memory_space<vmem>>
    %dma_wait3A_282 = tpu.memref_squeeze %dma_wait3A_281 : memref<1x128xi32, #tpu.memory_space<vmem>> -> memref<128xi32, #tpu.memory_space<vmem>>
    %dma_wait3A_283 = arith.constant 0 : i32
    %dma_wait3A_284 = tpu.memref_slice %arg6[%dma_wait3A_283] : memref<1000000xf32, #tpu.memory_space<hbm>> -> memref<1000000xf32, #tpu.memory_space<hbm>>
    tpu.wait_indirect_dma semaphore(%arg23 : memref<!tpu.dma_semaphore, #tpu.memory_space<semaphore_mem>>) src(%dma_wait3A_284 : memref<1000000xf32, #tpu.memory_space<hbm>>) dst(%dma_wait3A_279 : memref<128xf32, #tpu.memory_space<vmem>>)
    %dma_wait3A_285 = arith.constant 3 : i32
    %dma_wait3A_286 = arith.constant 384 : i32
    %dma_wait3A_287 = tpu.memref_slice %arg19[%dma_wait3A_286] : memref<512xf32, #tpu.memory_space<vmem>> -> memref<128xf32, #tpu.memory_space<vmem>>
    %dma_wait3A_288 = arith.constant 0 : i32
    %dma_wait3A_289 = tpu.memref_slice %arg15[%dma_wait3A_285, %dma_wait3A_288] : memref<4x128xi32, #tpu.memory_space<vmem>> -> memref<1x128xi32, #tpu.memory_space<vmem>>
    %dma_wait3A_290 = tpu.memref_squeeze %dma_wait3A_289 : memref<1x128xi32, #tpu.memory_space<vmem>> -> memref<128xi32, #tpu.memory_space<vmem>>
    %dma_wait3A_291 = arith.constant 0 : i32
    %dma_wait3A_292 = tpu.memref_slice %arg7[%dma_wait3A_291] : memref<100000xf32, #tpu.memory_space<hbm>> -> memref<100000xf32, #tpu.memory_space<hbm>>
    tpu.wait_indirect_dma semaphore(%arg23 : memref<!tpu.dma_semaphore, #tpu.memory_space<semaphore_mem>>) src(%dma_wait3A_292 : memref<100000xf32, #tpu.memory_space<hbm>>) dst(%dma_wait3A_287 : memref<128xf32, #tpu.memory_space<vmem>>)
    %dma_start3A_293 = arith.constant 0 : i32
    %dma_start3A_294 = tpu.memref_slice %arg12[%mul3A_2, %dma_start3A_293] : memref<16384x32xf32, #tpu.memory_space<hbm>> -> memref<512x32xf32, #tpu.memory_space<hbm>>
    %dma_start3A_295 = arith.constant 0 : i32
    %dma_start3A_296 = tpu.memref_slice %arg12[%mul3A_2, %dma_start3A_295] : memref<16384x32xf32, #tpu.memory_space<hbm>> -> memref<512x32xf32, #tpu.memory_space<hbm>>
    tpu.enqueue_dma source(%arg16 : memref<512x32xf32, #tpu.memory_space<vmem>>) target(%dma_start3A_296 : memref<512x32xf32, #tpu.memory_space<hbm>>) target_semaphore(%arg24 : memref<!tpu.dma_semaphore, #tpu.memory_space<semaphore_mem>>)
    %dma_start3A_297 = arith.constant 0 : i32
    %dma_start3A_298 = tpu.memref_slice %arg13[%mul3A_2, %dma_start3A_297] : memref<16384x32xf32, #tpu.memory_space<hbm>> -> memref<512x32xf32, #tpu.memory_space<hbm>>
    %dma_start3A_299 = arith.constant 0 : i32
    %dma_start3A_300 = tpu.memref_slice %arg13[%mul3A_2, %dma_start3A_299] : memref<16384x32xf32, #tpu.memory_space<hbm>> -> memref<512x32xf32, #tpu.memory_space<hbm>>
    tpu.enqueue_dma source(%arg17 : memref<512x32xf32, #tpu.memory_space<vmem>>) target(%dma_start3A_300 : memref<512x32xf32, #tpu.memory_space<hbm>>) target_semaphore(%arg24 : memref<!tpu.dma_semaphore, #tpu.memory_space<semaphore_mem>>)
    %get3A = arith.constant 0 : index
    %get3A_301 = tpu.vector_load %arg21[%get3A] {strides = array<i32>} : memref<16xf32, #tpu.memory_space<vmem>>, vector<16xf32>,
    %iota3A = tpu.iota {dimensions = array<i32: 0>} : vector<16xi32>
    %scan3A = arith.constant 0 : i32
    %scan3A_302 = arith.constant 0 : i32
    %scan3A_303 = arith.constant 32 : i32
    %scan3A_304 = arith.addi %scan3A_302, %scan3A_303 : i32
    %scan3A_305 = arith.constant 1 : i32
    scf.for %scan3A_317 = %scan3A_302 to %scan3A_304 step %scan3A_305  : i32 {
      %mul3A_318 = arith.constant 16 : i32
      %mul3A_319 = arith.muli %scan3A_317, %mul3A_318 : i32
      %add3A_320 = vector.broadcast %mul3A_319 : i32 to vector<16xi32>
      %add3A_321 = arith.addi %iota3A, %add3A_320 : vector<16xi32>
      %broadcast_in_dim3A = arith.constant 0.000000e+00 : f32
      %broadcast_in_dim3A_322 = vector.broadcast %broadcast_in_dim3A : f32 to vector<16xf32>
      %broadcast_in_dim3A_323 = arith.constant 0 : i32
      %broadcast_in_dim3A_324 = vector.broadcast %broadcast_in_dim3A_323 : i32 to vector<16xi32>
      %gather3A = tpu.vector_load_idx %arg16[%add3A_321, %broadcast_in_dim3A_324] : memref<512x32xf32, #tpu.memory_space<vmem>>[vector<16xi32>, vector<16xi32>], vector<16xf32>,
      %gather3A_325 = tpu.vector_load_idx %arg17[%add3A_321, %broadcast_in_dim3A_324] : memref<512x32xf32, #tpu.memory_space<vmem>>[vector<16xi32>, vector<16xi32>], vector<16xf32>,
      %mul3A_326 = arith.mulf %gather3A, %gather3A_325 : vector<16xf32>
      %add3A_327 = arith.addf %broadcast_in_dim3A_322, %mul3A_326 : vector<16xf32>
      %broadcast_in_dim3A_328 = arith.constant 1 : i32
      %broadcast_in_dim3A_329 = vector.broadcast %broadcast_in_dim3A_328 : i32 to vector<16xi32>
      %gather3A_330 = tpu.vector_load_idx %arg16[%add3A_321, %broadcast_in_dim3A_329] : memref<512x32xf32, #tpu.memory_space<vmem>>[vector<16xi32>, vector<16xi32>], vector<16xf32>,
      %gather3A_331 = tpu.vector_load_idx %arg17[%add3A_321, %broadcast_in_dim3A_329] : memref<512x32xf32, #tpu.memory_space<vmem>>[vector<16xi32>, vector<16xi32>], vector<16xf32>,
      %mul3A_332 = arith.mulf %gather3A_330, %gather3A_331 : vector<16xf32>
      %add3A_333 = arith.addf %add3A_327, %mul3A_332 : vector<16xf32>
      %broadcast_in_dim3A_334 = arith.constant 2 : i32
      %broadcast_in_dim3A_335 = vector.broadcast %broadcast_in_dim3A_334 : i32 to vector<16xi32>
      %gather3A_336 = tpu.vector_load_idx %arg16[%add3A_321, %broadcast_in_dim3A_335] : memref<512x32xf32, #tpu.memory_space<vmem>>[vector<16xi32>, vector<16xi32>], vector<16xf32>,
      %gather3A_337 = tpu.vector_load_idx %arg17[%add3A_321, %broadcast_in_dim3A_335] : memref<512x32xf32, #tpu.memory_space<vmem>>[vector<16xi32>, vector<16xi32>], vector<16xf32>,
      %mul3A_338 = arith.mulf %gather3A_336, %gather3A_337 : vector<16xf32>
      %add3A_339 = arith.addf %add3A_333, %mul3A_338 : vector<16xf32>
      %broadcast_in_dim3A_340 = arith.constant 3 : i32
      %broadcast_in_dim3A_341 = vector.broadcast %broadcast_in_dim3A_340 : i32 to vector<16xi32>
      %gather3A_342 = tpu.vector_load_idx %arg16[%add3A_321, %broadcast_in_dim3A_341] : memref<512x32xf32, #tpu.memory_space<vmem>>[vector<16xi32>, vector<16xi32>], vector<16xf32>,
      %gather3A_343 = tpu.vector_load_idx %arg17[%add3A_321, %broadcast_in_dim3A_341] : memref<512x32xf32, #tpu.memory_space<vmem>>[vector<16xi32>, vector<16xi32>], vector<16xf32>,
      %mul3A_344 = arith.mulf %gather3A_342, %gather3A_343 : vector<16xf32>
      %add3A_345 = arith.addf %add3A_339, %mul3A_344 : vector<16xf32>
      %broadcast_in_dim3A_346 = arith.constant 4 : i32
      %broadcast_in_dim3A_347 = vector.broadcast %broadcast_in_dim3A_346 : i32 to vector<16xi32>
      %gather3A_348 = tpu.vector_load_idx %arg16[%add3A_321, %broadcast_in_dim3A_347] : memref<512x32xf32, #tpu.memory_space<vmem>>[vector<16xi32>, vector<16xi32>], vector<16xf32>,
      %gather3A_349 = tpu.vector_load_idx %arg17[%add3A_321, %broadcast_in_dim3A_347] : memref<512x32xf32, #tpu.memory_space<vmem>>[vector<16xi32>, vector<16xi32>], vector<16xf32>,
      %mul3A_350 = arith.mulf %gather3A_348, %gather3A_349 : vector<16xf32>
      %add3A_351 = arith.addf %add3A_345, %mul3A_350 : vector<16xf32>
      %broadcast_in_dim3A_352 = arith.constant 5 : i32
      %broadcast_in_dim3A_353 = vector.broadcast %broadcast_in_dim3A_352 : i32 to vector<16xi32>
      %gather3A_354 = tpu.vector_load_idx %arg16[%add3A_321, %broadcast_in_dim3A_353] : memref<512x32xf32, #tpu.memory_space<vmem>>[vector<16xi32>, vector<16xi32>], vector<16xf32>,
      %gather3A_355 = tpu.vector_load_idx %arg17[%add3A_321, %broadcast_in_dim3A_353] : memref<512x32xf32, #tpu.memory_space<vmem>>[vector<16xi32>, vector<16xi32>], vector<16xf32>,
      %mul3A_356 = arith.mulf %gather3A_354, %gather3A_355 : vector<16xf32>
      %add3A_357 = arith.addf %add3A_351, %mul3A_356 : vector<16xf32>
      %broadcast_in_dim3A_358 = arith.constant 6 : i32
      %broadcast_in_dim3A_359 = vector.broadcast %broadcast_in_dim3A_358 : i32 to vector<16xi32>
      %gather3A_360 = tpu.vector_load_idx %arg16[%add3A_321, %broadcast_in_dim3A_359] : memref<512x32xf32, #tpu.memory_space<vmem>>[vector<16xi32>, vector<16xi32>], vector<16xf32>,
      %gather3A_361 = tpu.vector_load_idx %arg17[%add3A_321, %broadcast_in_dim3A_359] : memref<512x32xf32, #tpu.memory_space<vmem>>[vector<16xi32>, vector<16xi32>], vector<16xf32>,
      %mul3A_362 = arith.mulf %gather3A_360, %gather3A_361 : vector<16xf32>
      %add3A_363 = arith.addf %add3A_357, %mul3A_362 : vector<16xf32>
      %broadcast_in_dim3A_364 = arith.constant 7 : i32
      %broadcast_in_dim3A_365 = vector.broadcast %broadcast_in_dim3A_364 : i32 to vector<16xi32>
      %gather3A_366 = tpu.vector_load_idx %arg16[%add3A_321, %broadcast_in_dim3A_365] : memref<512x32xf32, #tpu.memory_space<vmem>>[vector<16xi32>, vector<16xi32>], vector<16xf32>,
      %gather3A_367 = tpu.vector_load_idx %arg17[%add3A_321, %broadcast_in_dim3A_365] : memref<512x32xf32, #tpu.memory_space<vmem>>[vector<16xi32>, vector<16xi32>], vector<16xf32>,
      %mul3A_368 = arith.mulf %gather3A_366, %gather3A_367 : vector<16xf32>
      %add3A_369 = arith.addf %add3A_363, %mul3A_368 : vector<16xf32>
      %broadcast_in_dim3A_370 = arith.constant 8 : i32
      %broadcast_in_dim3A_371 = vector.broadcast %broadcast_in_dim3A_370 : i32 to vector<16xi32>
      %gather3A_372 = tpu.vector_load_idx %arg16[%add3A_321, %broadcast_in_dim3A_371] : memref<512x32xf32, #tpu.memory_space<vmem>>[vector<16xi32>, vector<16xi32>], vector<16xf32>,
      %gather3A_373 = tpu.vector_load_idx %arg17[%add3A_321, %broadcast_in_dim3A_371] : memref<512x32xf32, #tpu.memory_space<vmem>>[vector<16xi32>, vector<16xi32>], vector<16xf32>,
      %mul3A_374 = arith.mulf %gather3A_372, %gather3A_373 : vector<16xf32>
      %add3A_375 = arith.addf %add3A_369, %mul3A_374 : vector<16xf32>
      %broadcast_in_dim3A_376 = arith.constant 9 : i32
      %broadcast_in_dim3A_377 = vector.broadcast %broadcast_in_dim3A_376 : i32 to vector<16xi32>
      %gather3A_378 = tpu.vector_load_idx %arg16[%add3A_321, %broadcast_in_dim3A_377] : memref<512x32xf32, #tpu.memory_space<vmem>>[vector<16xi32>, vector<16xi32>], vector<16xf32>,
      %gather3A_379 = tpu.vector_load_idx %arg17[%add3A_321, %broadcast_in_dim3A_377] : memref<512x32xf32, #tpu.memory_space<vmem>>[vector<16xi32>, vector<16xi32>], vector<16xf32>,
      %mul3A_380 = arith.mulf %gather3A_378, %gather3A_379 : vector<16xf32>
      %add3A_381 = arith.addf %add3A_375, %mul3A_380 : vector<16xf32>
      %broadcast_in_dim3A_382 = arith.constant 10 : i32
      %broadcast_in_dim3A_383 = vector.broadcast %broadcast_in_dim3A_382 : i32 to vector<16xi32>
      %gather3A_384 = tpu.vector_load_idx %arg16[%add3A_321, %broadcast_in_dim3A_383] : memref<512x32xf32, #tpu.memory_space<vmem>>[vector<16xi32>, vector<16xi32>], vector<16xf32>,
      %gather3A_385 = tpu.vector_load_idx %arg17[%add3A_321, %broadcast_in_dim3A_383] : memref<512x32xf32, #tpu.memory_space<vmem>>[vector<16xi32>, vector<16xi32>], vector<16xf32>,
      %mul3A_386 = arith.mulf %gather3A_384, %gather3A_385 : vector<16xf32>
      %add3A_387 = arith.addf %add3A_381, %mul3A_386 : vector<16xf32>
      %broadcast_in_dim3A_388 = arith.constant 11 : i32
      %broadcast_in_dim3A_389 = vector.broadcast %broadcast_in_dim3A_388 : i32 to vector<16xi32>
      %gather3A_390 = tpu.vector_load_idx %arg16[%add3A_321, %broadcast_in_dim3A_389] : memref<512x32xf32, #tpu.memory_space<vmem>>[vector<16xi32>, vector<16xi32>], vector<16xf32>,
      %gather3A_391 = tpu.vector_load_idx %arg17[%add3A_321, %broadcast_in_dim3A_389] : memref<512x32xf32, #tpu.memory_space<vmem>>[vector<16xi32>, vector<16xi32>], vector<16xf32>,
      %mul3A_392 = arith.mulf %gather3A_390, %gather3A_391 : vector<16xf32>
      %add3A_393 = arith.addf %add3A_387, %mul3A_392 : vector<16xf32>
      %broadcast_in_dim3A_394 = arith.constant 12 : i32
      %broadcast_in_dim3A_395 = vector.broadcast %broadcast_in_dim3A_394 : i32 to vector<16xi32>
      %gather3A_396 = tpu.vector_load_idx %arg16[%add3A_321, %broadcast_in_dim3A_395] : memref<512x32xf32, #tpu.memory_space<vmem>>[vector<16xi32>, vector<16xi32>], vector<16xf32>,
      %gather3A_397 = tpu.vector_load_idx %arg17[%add3A_321, %broadcast_in_dim3A_395] : memref<512x32xf32, #tpu.memory_space<vmem>>[vector<16xi32>, vector<16xi32>], vector<16xf32>,
      %mul3A_398 = arith.mulf %gather3A_396, %gather3A_397 : vector<16xf32>
      %add3A_399 = arith.addf %add3A_393, %mul3A_398 : vector<16xf32>
      %broadcast_in_dim3A_400 = arith.constant 13 : i32
      %broadcast_in_dim3A_401 = vector.broadcast %broadcast_in_dim3A_400 : i32 to vector<16xi32>
      %gather3A_402 = tpu.vector_load_idx %arg16[%add3A_321, %broadcast_in_dim3A_401] : memref<512x32xf32, #tpu.memory_space<vmem>>[vector<16xi32>, vector<16xi32>], vector<16xf32>,
      %gather3A_403 = tpu.vector_load_idx %arg17[%add3A_321, %broadcast_in_dim3A_401] : memref<512x32xf32, #tpu.memory_space<vmem>>[vector<16xi32>, vector<16xi32>], vector<16xf32>,
      %mul3A_404 = arith.mulf %gather3A_402, %gather3A_403 : vector<16xf32>
      %add3A_405 = arith.addf %add3A_399, %mul3A_404 : vector<16xf32>
      %broadcast_in_dim3A_406 = arith.constant 14 : i32
      %broadcast_in_dim3A_407 = vector.broadcast %broadcast_in_dim3A_406 : i32 to vector<16xi32>
      %gather3A_408 = tpu.vector_load_idx %arg16[%add3A_321, %broadcast_in_dim3A_407] : memref<512x32xf32, #tpu.memory_space<vmem>>[vector<16xi32>, vector<16xi32>], vector<16xf32>,
      %gather3A_409 = tpu.vector_load_idx %arg17[%add3A_321, %broadcast_in_dim3A_407] : memref<512x32xf32, #tpu.memory_space<vmem>>[vector<16xi32>, vector<16xi32>], vector<16xf32>,
      %mul3A_410 = arith.mulf %gather3A_408, %gather3A_409 : vector<16xf32>
      %add3A_411 = arith.addf %add3A_405, %mul3A_410 : vector<16xf32>
      %broadcast_in_dim3A_412 = arith.constant 15 : i32
      %broadcast_in_dim3A_413 = vector.broadcast %broadcast_in_dim3A_412 : i32 to vector<16xi32>
      %gather3A_414 = tpu.vector_load_idx %arg16[%add3A_321, %broadcast_in_dim3A_413] : memref<512x32xf32, #tpu.memory_space<vmem>>[vector<16xi32>, vector<16xi32>], vector<16xf32>,
      %gather3A_415 = tpu.vector_load_idx %arg17[%add3A_321, %broadcast_in_dim3A_413] : memref<512x32xf32, #tpu.memory_space<vmem>>[vector<16xi32>, vector<16xi32>], vector<16xf32>,
      %mul3A_416 = arith.mulf %gather3A_414, %gather3A_415 : vector<16xf32>
      %add3A_417 = arith.addf %add3A_411, %mul3A_416 : vector<16xf32>
      %broadcast_in_dim3A_418 = arith.constant 16 : i32
      %broadcast_in_dim3A_419 = vector.broadcast %broadcast_in_dim3A_418 : i32 to vector<16xi32>
      %gather3A_420 = tpu.vector_load_idx %arg16[%add3A_321, %broadcast_in_dim3A_419] : memref<512x32xf32, #tpu.memory_space<vmem>>[vector<16xi32>, vector<16xi32>], vector<16xf32>,
      %gather3A_421 = tpu.vector_load_idx %arg17[%add3A_321, %broadcast_in_dim3A_419] : memref<512x32xf32, #tpu.memory_space<vmem>>[vector<16xi32>, vector<16xi32>], vector<16xf32>,
      %mul3A_422 = arith.mulf %gather3A_420, %gather3A_421 : vector<16xf32>
      %add3A_423 = arith.addf %add3A_417, %mul3A_422 : vector<16xf32>
      %broadcast_in_dim3A_424 = arith.constant 17 : i32
      %broadcast_in_dim3A_425 = vector.broadcast %broadcast_in_dim3A_424 : i32 to vector<16xi32>
      %gather3A_426 = tpu.vector_load_idx %arg16[%add3A_321, %broadcast_in_dim3A_425] : memref<512x32xf32, #tpu.memory_space<vmem>>[vector<16xi32>, vector<16xi32>], vector<16xf32>,
      %gather3A_427 = tpu.vector_load_idx %arg17[%add3A_321, %broadcast_in_dim3A_425] : memref<512x32xf32, #tpu.memory_space<vmem>>[vector<16xi32>, vector<16xi32>], vector<16xf32>,
      %mul3A_428 = arith.mulf %gather3A_426, %gather3A_427 : vector<16xf32>
      %add3A_429 = arith.addf %add3A_423, %mul3A_428 : vector<16xf32>
      %broadcast_in_dim3A_430 = arith.constant 18 : i32
      %broadcast_in_dim3A_431 = vector.broadcast %broadcast_in_dim3A_430 : i32 to vector<16xi32>
      %gather3A_432 = tpu.vector_load_idx %arg16[%add3A_321, %broadcast_in_dim3A_431] : memref<512x32xf32, #tpu.memory_space<vmem>>[vector<16xi32>, vector<16xi32>], vector<16xf32>,
      %gather3A_433 = tpu.vector_load_idx %arg17[%add3A_321, %broadcast_in_dim3A_431] : memref<512x32xf32, #tpu.memory_space<vmem>>[vector<16xi32>, vector<16xi32>], vector<16xf32>,
      %mul3A_434 = arith.mulf %gather3A_432, %gather3A_433 : vector<16xf32>
      %add3A_435 = arith.addf %add3A_429, %mul3A_434 : vector<16xf32>
      %broadcast_in_dim3A_436 = arith.constant 19 : i32
      %broadcast_in_dim3A_437 = vector.broadcast %broadcast_in_dim3A_436 : i32 to vector<16xi32>
      %gather3A_438 = tpu.vector_load_idx %arg16[%add3A_321, %broadcast_in_dim3A_437] : memref<512x32xf32, #tpu.memory_space<vmem>>[vector<16xi32>, vector<16xi32>], vector<16xf32>,
      %gather3A_439 = tpu.vector_load_idx %arg17[%add3A_321, %broadcast_in_dim3A_437] : memref<512x32xf32, #tpu.memory_space<vmem>>[vector<16xi32>, vector<16xi32>], vector<16xf32>,
      %mul3A_440 = arith.mulf %gather3A_438, %gather3A_439 : vector<16xf32>
      %add3A_441 = arith.addf %add3A_435, %mul3A_440 : vector<16xf32>
      %broadcast_in_dim3A_442 = arith.constant 20 : i32
      %broadcast_in_dim3A_443 = vector.broadcast %broadcast_in_dim3A_442 : i32 to vector<16xi32>
      %gather3A_444 = tpu.vector_load_idx %arg16[%add3A_321, %broadcast_in_dim3A_443] : memref<512x32xf32, #tpu.memory_space<vmem>>[vector<16xi32>, vector<16xi32>], vector<16xf32>,
      %gather3A_445 = tpu.vector_load_idx %arg17[%add3A_321, %broadcast_in_dim3A_443] : memref<512x32xf32, #tpu.memory_space<vmem>>[vector<16xi32>, vector<16xi32>], vector<16xf32>,
      %mul3A_446 = arith.mulf %gather3A_444, %gather3A_445 : vector<16xf32>
      %add3A_447 = arith.addf %add3A_441, %mul3A_446 : vector<16xf32>
      %broadcast_in_dim3A_448 = arith.constant 21 : i32
      %broadcast_in_dim3A_449 = vector.broadcast %broadcast_in_dim3A_448 : i32 to vector<16xi32>
      %gather3A_450 = tpu.vector_load_idx %arg16[%add3A_321, %broadcast_in_dim3A_449] : memref<512x32xf32, #tpu.memory_space<vmem>>[vector<16xi32>, vector<16xi32>], vector<16xf32>,
      %gather3A_451 = tpu.vector_load_idx %arg17[%add3A_321, %broadcast_in_dim3A_449] : memref<512x32xf32, #tpu.memory_space<vmem>>[vector<16xi32>, vector<16xi32>], vector<16xf32>,
      %mul3A_452 = arith.mulf %gather3A_450, %gather3A_451 : vector<16xf32>
      %add3A_453 = arith.addf %add3A_447, %mul3A_452 : vector<16xf32>
      %broadcast_in_dim3A_454 = arith.constant 22 : i32
      %broadcast_in_dim3A_455 = vector.broadcast %broadcast_in_dim3A_454 : i32 to vector<16xi32>
      %gather3A_456 = tpu.vector_load_idx %arg16[%add3A_321, %broadcast_in_dim3A_455] : memref<512x32xf32, #tpu.memory_space<vmem>>[vector<16xi32>, vector<16xi32>], vector<16xf32>,
      %gather3A_457 = tpu.vector_load_idx %arg17[%add3A_321, %broadcast_in_dim3A_455] : memref<512x32xf32, #tpu.memory_space<vmem>>[vector<16xi32>, vector<16xi32>], vector<16xf32>,
      %mul3A_458 = arith.mulf %gather3A_456, %gather3A_457 : vector<16xf32>
      %add3A_459 = arith.addf %add3A_453, %mul3A_458 : vector<16xf32>
      %broadcast_in_dim3A_460 = arith.constant 23 : i32
      %broadcast_in_dim3A_461 = vector.broadcast %broadcast_in_dim3A_460 : i32 to vector<16xi32>
      %gather3A_462 = tpu.vector_load_idx %arg16[%add3A_321, %broadcast_in_dim3A_461] : memref<512x32xf32, #tpu.memory_space<vmem>>[vector<16xi32>, vector<16xi32>], vector<16xf32>,
      %gather3A_463 = tpu.vector_load_idx %arg17[%add3A_321, %broadcast_in_dim3A_461] : memref<512x32xf32, #tpu.memory_space<vmem>>[vector<16xi32>, vector<16xi32>], vector<16xf32>,
      %mul3A_464 = arith.mulf %gather3A_462, %gather3A_463 : vector<16xf32>
      %add3A_465 = arith.addf %add3A_459, %mul3A_464 : vector<16xf32>
      %broadcast_in_dim3A_466 = arith.constant 24 : i32
      %broadcast_in_dim3A_467 = vector.broadcast %broadcast_in_dim3A_466 : i32 to vector<16xi32>
      %gather3A_468 = tpu.vector_load_idx %arg16[%add3A_321, %broadcast_in_dim3A_467] : memref<512x32xf32, #tpu.memory_space<vmem>>[vector<16xi32>, vector<16xi32>], vector<16xf32>,
      %gather3A_469 = tpu.vector_load_idx %arg17[%add3A_321, %broadcast_in_dim3A_467] : memref<512x32xf32, #tpu.memory_space<vmem>>[vector<16xi32>, vector<16xi32>], vector<16xf32>,
      %mul3A_470 = arith.mulf %gather3A_468, %gather3A_469 : vector<16xf32>
      %add3A_471 = arith.addf %add3A_465, %mul3A_470 : vector<16xf32>
      %broadcast_in_dim3A_472 = arith.constant 25 : i32
      %broadcast_in_dim3A_473 = vector.broadcast %broadcast_in_dim3A_472 : i32 to vector<16xi32>
      %gather3A_474 = tpu.vector_load_idx %arg16[%add3A_321, %broadcast_in_dim3A_473] : memref<512x32xf32, #tpu.memory_space<vmem>>[vector<16xi32>, vector<16xi32>], vector<16xf32>,
      %gather3A_475 = tpu.vector_load_idx %arg17[%add3A_321, %broadcast_in_dim3A_473] : memref<512x32xf32, #tpu.memory_space<vmem>>[vector<16xi32>, vector<16xi32>], vector<16xf32>,
      %mul3A_476 = arith.mulf %gather3A_474, %gather3A_475 : vector<16xf32>
      %add3A_477 = arith.addf %add3A_471, %mul3A_476 : vector<16xf32>
      %broadcast_in_dim3A_478 = arith.constant 26 : i32
      %broadcast_in_dim3A_479 = vector.broadcast %broadcast_in_dim3A_478 : i32 to vector<16xi32>
      %gather3A_480 = tpu.vector_load_idx %arg16[%add3A_321, %broadcast_in_dim3A_479] : memref<512x32xf32, #tpu.memory_space<vmem>>[vector<16xi32>, vector<16xi32>], vector<16xf32>,
      %gather3A_481 = tpu.vector_load_idx %arg17[%add3A_321, %broadcast_in_dim3A_479] : memref<512x32xf32, #tpu.memory_space<vmem>>[vector<16xi32>, vector<16xi32>], vector<16xf32>,
      %mul3A_482 = arith.mulf %gather3A_480, %gather3A_481 : vector<16xf32>
      %add3A_483 = arith.addf %add3A_477, %mul3A_482 : vector<16xf32>
      %broadcast_in_dim3A_484 = arith.constant 27 : i32
      %broadcast_in_dim3A_485 = vector.broadcast %broadcast_in_dim3A_484 : i32 to vector<16xi32>
      %gather3A_486 = tpu.vector_load_idx %arg16[%add3A_321, %broadcast_in_dim3A_485] : memref<512x32xf32, #tpu.memory_space<vmem>>[vector<16xi32>, vector<16xi32>], vector<16xf32>,
      %gather3A_487 = tpu.vector_load_idx %arg17[%add3A_321, %broadcast_in_dim3A_485] : memref<512x32xf32, #tpu.memory_space<vmem>>[vector<16xi32>, vector<16xi32>], vector<16xf32>,
      %mul3A_488 = arith.mulf %gather3A_486, %gather3A_487 : vector<16xf32>
      %add3A_489 = arith.addf %add3A_483, %mul3A_488 : vector<16xf32>
      %broadcast_in_dim3A_490 = arith.constant 28 : i32
      %broadcast_in_dim3A_491 = vector.broadcast %broadcast_in_dim3A_490 : i32 to vector<16xi32>
      %gather3A_492 = tpu.vector_load_idx %arg16[%add3A_321, %broadcast_in_dim3A_491] : memref<512x32xf32, #tpu.memory_space<vmem>>[vector<16xi32>, vector<16xi32>], vector<16xf32>,
      %gather3A_493 = tpu.vector_load_idx %arg17[%add3A_321, %broadcast_in_dim3A_491] : memref<512x32xf32, #tpu.memory_space<vmem>>[vector<16xi32>, vector<16xi32>], vector<16xf32>,
      %mul3A_494 = arith.mulf %gather3A_492, %gather3A_493 : vector<16xf32>
      %add3A_495 = arith.addf %add3A_489, %mul3A_494 : vector<16xf32>
      %broadcast_in_dim3A_496 = arith.constant 29 : i32
      %broadcast_in_dim3A_497 = vector.broadcast %broadcast_in_dim3A_496 : i32 to vector<16xi32>
      %gather3A_498 = tpu.vector_load_idx %arg16[%add3A_321, %broadcast_in_dim3A_497] : memref<512x32xf32, #tpu.memory_space<vmem>>[vector<16xi32>, vector<16xi32>], vector<16xf32>,
      %gather3A_499 = tpu.vector_load_idx %arg17[%add3A_321, %broadcast_in_dim3A_497] : memref<512x32xf32, #tpu.memory_space<vmem>>[vector<16xi32>, vector<16xi32>], vector<16xf32>,
      %mul3A_500 = arith.mulf %gather3A_498, %gather3A_499 : vector<16xf32>
      %add3A_501 = arith.addf %add3A_495, %mul3A_500 : vector<16xf32>
      %broadcast_in_dim3A_502 = arith.constant 30 : i32
      %broadcast_in_dim3A_503 = vector.broadcast %broadcast_in_dim3A_502 : i32 to vector<16xi32>
      %gather3A_504 = tpu.vector_load_idx %arg16[%add3A_321, %broadcast_in_dim3A_503] : memref<512x32xf32, #tpu.memory_space<vmem>>[vector<16xi32>, vector<16xi32>], vector<16xf32>,
      %gather3A_505 = tpu.vector_load_idx %arg17[%add3A_321, %broadcast_in_dim3A_503] : memref<512x32xf32, #tpu.memory_space<vmem>>[vector<16xi32>, vector<16xi32>], vector<16xf32>,
      %mul3A_506 = arith.mulf %gather3A_504, %gather3A_505 : vector<16xf32>
      %add3A_507 = arith.addf %add3A_501, %mul3A_506 : vector<16xf32>
      %broadcast_in_dim3A_508 = arith.constant 31 : i32
      %broadcast_in_dim3A_509 = vector.broadcast %broadcast_in_dim3A_508 : i32 to vector<16xi32>
      %gather3A_510 = tpu.vector_load_idx %arg16[%add3A_321, %broadcast_in_dim3A_509] : memref<512x32xf32, #tpu.memory_space<vmem>>[vector<16xi32>, vector<16xi32>], vector<16xf32>,
      %gather3A_511 = tpu.vector_load_idx %arg17[%add3A_321, %broadcast_in_dim3A_509] : memref<512x32xf32, #tpu.memory_space<vmem>>[vector<16xi32>, vector<16xi32>], vector<16xf32>,
      %mul3A_512 = arith.mulf %gather3A_510, %gather3A_511 : vector<16xf32>
      %add3A_513 = arith.addf %add3A_507, %mul3A_512 : vector<16xf32>
      %mul3A_514 = arith.constant 16 : i32
      %mul3A_515 = arith.muli %scan3A_317, %mul3A_514 : i32
      %get3A_516 = arith.index_cast %mul3A_515 : i32 to index
      %get3A_517 = tpu.vector_load %arg18[%get3A_516] {strides = array<i32>} : memref<512xf32, #tpu.memory_space<vmem>>, vector<16xf32>,
      %add3A_518 = arith.addf %add3A_513, %get3A_517 : vector<16xf32>
      %get3A_519 = arith.index_cast %mul3A_515 : i32 to index
      %get3A_520 = tpu.vector_load %arg19[%get3A_519] {strides = array<i32>} : memref<512xf32, #tpu.memory_space<vmem>>, vector<16xf32>,
      %add3A_521 = arith.addf %add3A_518, %get3A_520 : vector<16xf32>
      %add3A_522 = arith.addf %add3A_521, %get3A_301 : vector<16xf32>
      %swap3A = arith.index_cast %mul3A_515 : i32 to index
      %swap3A_523 = tpu.vector_load %arg20[%swap3A] {strides = array<i32>} : memref<512xf32, #tpu.memory_space<vmem>>, vector<16xf32>,
      tpu.vector_store %arg20[%swap3A], %add3A_522 {strides = array<i32>} : memref<512xf32, #tpu.memory_space<vmem>>, vector<16xf32>,
    }
    %scan3A_306 = arith.constant 32 : i32
    "tpu.region"() ({
      %run_scoped3A = tpu.sem_alloc : memref<!tpu.dma_semaphore, #tpu.memory_space<semaphore_mem>>
      %dma_start3A_317 = tpu.memref_slice %arg10[%mul3A_2] : memref<16384xf32, #tpu.memory_space<hbm>> -> memref<512xf32, #tpu.memory_space<hbm>>
      %dma_start3A_318 = tpu.memref_slice %arg10[%mul3A_2] : memref<16384xf32, #tpu.memory_space<hbm>> -> memref<512xf32, #tpu.memory_space<hbm>>
      tpu.enqueue_dma source(%arg20 : memref<512xf32, #tpu.memory_space<vmem>>) target(%dma_start3A_318 : memref<512xf32, #tpu.memory_space<hbm>>) target_semaphore(%run_scoped3A : memref<!tpu.dma_semaphore, #tpu.memory_space<semaphore_mem>>)
      %dma_wait3A_319 = tpu.memref_slice %arg10[%mul3A_2] : memref<16384xf32, #tpu.memory_space<hbm>> -> memref<512xf32, #tpu.memory_space<hbm>>
      %dma_wait3A_320 = tpu.memref_slice %arg10[%mul3A_2] : memref<16384xf32, #tpu.memory_space<hbm>> -> memref<512xf32, #tpu.memory_space<hbm>>
      tpu.wait_dma2 semaphore(%run_scoped3A : memref<!tpu.dma_semaphore, #tpu.memory_space<semaphore_mem>>) src(%arg20 : memref<512xf32, #tpu.memory_space<vmem>>) dst(%dma_wait3A_320 : memref<512xf32, #tpu.memory_space<hbm>>)
      tpu.yield
    }) : () -> ()
    %eq3A = arith.constant 0 : i32
    %eq3A_307 = arith.cmpi eq, %add3A, %eq3A : i32
    %convert_element_type3A = arith.extui %eq3A_307 : i1 to i32
    %cond3A = arith.constant 0 : i32
    %cond3A_308 = arith.cmpi ne, %convert_element_type3A, %cond3A : i32
    scf.if %cond3A_308 {
      %get3A_317 = arith.constant 0 : index
      %get3A_318 = tpu.vector_load %arg22[%get3A_317] {strides = array<i32>} : memref<16xf32, #tpu.memory_space<vmem>>, vector<16xf32>,
      %exp3A = math.exp %get3A_318 : vector<16xf32>
      %div3A = arith.constant 1.000000e+00 : f32
      %div3A_319 = vector.broadcast %div3A : f32 to vector<16xf32>
      %div3A_320 = arith.divf %div3A_319, %exp3A : vector<16xf32>
      %swap3A = arith.constant 0 : index
      %swap3A_321 = tpu.vector_load %arg22[%swap3A] {strides = array<i32>} : memref<16xf32, #tpu.memory_space<vmem>>, vector<16xf32>,
      tpu.vector_store %arg22[%swap3A], %div3A_320 {strides = array<i32>} : memref<16xf32, #tpu.memory_space<vmem>>, vector<16xf32>,
      "tpu.region"() ({
        %run_scoped3A = tpu.sem_alloc : memref<!tpu.dma_semaphore, #tpu.memory_space<semaphore_mem>>
        tpu.enqueue_dma source(%arg22 : memref<16xf32, #tpu.memory_space<vmem>>) target(%arg11 : memref<16xf32, #tpu.memory_space<hbm>>) target_semaphore(%run_scoped3A : memref<!tpu.dma_semaphore, #tpu.memory_space<semaphore_mem>>)
        tpu.wait_dma2 semaphore(%run_scoped3A : memref<!tpu.dma_semaphore, #tpu.memory_space<semaphore_mem>>) src(%arg22 : memref<16xf32, #tpu.memory_space<vmem>>) dst(%arg11 : memref<16xf32, #tpu.memory_space<hbm>>)
        tpu.yield
      }) : () -> ()
    } else {
    }
    %dma_wait3A_309 = arith.constant 0 : i32
    %dma_wait3A_310 = tpu.memref_slice %arg12[%mul3A_2, %dma_wait3A_309] : memref<16384x32xf32, #tpu.memory_space<hbm>> -> memref<512x32xf32, #tpu.memory_space<hbm>>
    %dma_wait3A_311 = arith.constant 0 : i32
    %dma_wait3A_312 = tpu.memref_slice %arg12[%mul3A_2, %dma_wait3A_311] : memref<16384x32xf32, #tpu.memory_space<hbm>> -> memref<512x32xf32, #tpu.memory_space<hbm>>
    tpu.wait_dma2 semaphore(%arg24 : memref<!tpu.dma_semaphore, #tpu.memory_space<semaphore_mem>>) src(%arg16 : memref<512x32xf32, #tpu.memory_space<vmem>>) dst(%dma_wait3A_312 : memref<512x32xf32, #tpu.memory_space<hbm>>)
    %dma_wait3A_313 = arith.constant 0 : i32
    %dma_wait3A_314 = tpu.memref_slice %arg13[%mul3A_2, %dma_wait3A_313] : memref<16384x32xf32, #tpu.memory_space<hbm>> -> memref<512x32xf32, #tpu.memory_space<hbm>>
    %dma_wait3A_315 = arith.constant 0 : i32
    %dma_wait3A_316 = tpu.memref_slice %arg13[%mul3A_2, %dma_wait3A_315] : memref<16384x32xf32, #tpu.memory_space<hbm>> -> memref<512x32xf32, #tpu.memory_space<hbm>>
    tpu.wait_dma2 semaphore(%arg24 : memref<!tpu.dma_semaphore, #tpu.memory_space<semaphore_mem>>) src(%arg17 : memref<512x32xf32, #tpu.memory_space<vmem>>) dst(%dma_wait3A_316 : memref<512x32xf32, #tpu.memory_space<hbm>>)
    return
  }
}

</mosaic_0001>

<sc_bundles>
// kernel: kernel.3.cloned.1.call-start
scs
__scs_entry_jumppad:
0x0: {  	(pc) =	sbr.rel $0x88, $3  }
0x1: {  	(tag) =	ssettag $0x0;
	lr =	simm.s32 $0x1  }
0x2: {  	[smem:$0x3F99] =	sst lr;
	_ =	strace $0xD0000000  }
0x3: {  	_ = 	snop  }
0x4: {  	_ = 	snop  }
0x5: {  	_ = 	snop  }
0x6: {  	_ = 	snop  }
0x7: {  	_ = 	snop  }
__scs_overlays_trampoline_lowered:
0x8: {  	[smem:$0x3FA8] =	sst s0  }
0x9: {  	[smem:$0x3FA9] =	sst s1  }
0xa: {  	[smem:$0x3FAA] =	sst s2  }
0xb: {  	[smem:$0x3FAB] =	sst s3  }
0xc: {  	[smem:$0x3FAC] =	sst s4  }
0xd: {  	[smem:$0x3FAD] =	sst s5  }
0xe: {  	[smem:$0x3FAE] =	sst s6  }
0xf: {  	[smem:$0x3FAF] =	sst s7  }
0x10: {  	[smem:$0x3FB0] =	sst s8  }
0x11: {  	[smem:$0x3FB1] =	sst s9;
	s0 =	simm.s32 @!p0 $0x0  }
0x12: {  	s1 =	sld [smem:$0x3F97];
	s0 =	simm.s32 @p0 $0x1  }
0x13: {  	[smem:$0x3FB2] =	sst s0;
	s0 =	simm.s32 @!p1 $0x0  }
0x14: {  	s2 =	sld [smem:$0x3F96];
	s0 =	simm.s32 @p1 $0x1  }
0x15: {  	[smem:$0x3FB3] =	sst s0;
	s0 =	simm.s32 @!p2 $0x0  }
0x16: {  	s3 =	sld [smem:$0x3FDB];
	s0 =	simm.s32 @p2 $0x1  }
0x17: {  	s4 =	simm.s32 $0x1BF5;
	[smem:$0x3FB5] =	sst s0  }
0x18: {  	s0 =	sld [smem:$0x3F98];
	_ =	swait.ge [sflag:s4], $0x0  }
0x19: {  	s7 =	sld [smem:$0x3F99]  }
0x1a: {  	s8 =	sadd.s32 $0xFFFFE003, lr  }
0x1b: {  	s9 =	sadd.s32 $0xFFFFFEF7, lr;
	s5 =	simm.s32 $0xFFFFFFFF;
	p2 =	slt.u32 s8, $0xFFFFF086  }
0x1c: {  	p1 =	slt.u32 s9, $0xF7A;
	s5 =	simm.s32 @!p2 $0x0  }
0x1d: {  	s5 =	simm.s32 @p1 $0x1;
	p0 =	seq.s32 s7, s2  }
0x1e: {  	s7 =	smul.u32 @!p0 $0xF7A, s2;
	p2 =	seq.s32 @!p0 s5, $0x0  }
0x1f: {  	s9 =	smul.u32 $0xF7A, s1;
	s8 =	simm.s32 @!p0 $0x1BF5;
	p2 =	por !p2, p0  }
0x20: {  	[sflag:s8] =	ssyncset.s32 @!p0 $0xFFFFF086;
	s6 =	sadd.s32 @!p0 s3, s7;
	s7 =	simm.s32 @!p0 $0x108  }
0x21: {  	s3 =	sadd.s32 s3, s9;
	s6 =	sadd.s32 @!p0 $0x88, s6;
	s7 =	simm.s32 @p2 $0x1082  }
0x22: {  	[simem:s7], [sflag:s8] =	dma.local @!p0 [hbm:s6], $0xF7A  }
0x23: {  	s9 =	sor.u32 $0xD0000000, s2;
	s6 =	simm.s32 $0x108;
	_ =	swait.ge @!p0 [sflag:s8], $0x0  }
0x24: {  	s3 =	sadd.s32 $0x88, s3;
	s6 =	simm.s32 @!p1 $0x1082;
	[sflag:s4] =	ssyncset.s32 $0xFFFFF086  }
0x25: {  	[simem:s6], [sflag:s4] =	dma.local [hbm:s3], $0xF7A  }
0x26: {  	[smem:$0x3F99] =	sst s1;
	(tag) =	ssettag s2;
	_ =	strace s9  }
0x27: {  	s1 =	sld [smem:$0x3FA9]  }
0x28: {  	s2 =	sld [smem:$0x3FAA]  }
0x29: {  	s4 =	sld [smem:$0x3FAC]  }
0x2a: {  	p0 =	seq.s32 s5, $0x0;
	s5 =	sld [smem:$0x3FAD]  }
0x2b: {  	s6 =	sld [smem:$0x3FAE]  }
0x2c: {  	s7 =	sld [smem:$0x3FAF]  }
0x2d: {  	s3 =	simm.s32 $0x108;
	s8 =	sld [smem:$0x3FB0]  }
0x2e: {  	s3 =	simm.s32 @!p0 $0x1082;
	s9 =	sld [smem:$0x3FB1]  }
0x2f: {  	lr =	sadd.s32 s0, s3;
	s0 =	sld [smem:$0x3FA8]  }
0x30: {  	s3 =	sld [smem:$0x3FAB]  }
0x31: {  	[smem:$0x3FB4] =	sst s10  }
0x32: {  	s10 =	sld [smem:$0x3FB2];
	_ =	sdelay $0x3  }
0x33: {  	p0 =	seq.s32 s10, $0x1;
	s10 =	sld [smem:$0x3FB4];
	_ =	sdelay $0x3  }
0x34: {  	[smem:$0x3FB4] =	sst s10  }
0x35: {  	s10 =	sld [smem:$0x3FB3];
	_ =	sdelay $0x3  }
0x36: {  	p1 =	seq.s32 s10, $0x1;
	s10 =	sld [smem:$0x3FB4];
	_ =	sdelay $0x3  }
0x37: {  	[smem:$0x3FB4] =	sst s10  }
0x38: {  	s10 =	sld [smem:$0x3FB5]  }
0x39: {  	_ = 	snop;
	(pc) =	sbr.ind lr, $3  }
0x3a: {  	_ = 	snop  }
0x3b: {  	_ = 	snop  }
0x3c: {  	p2 =	seq.s32 s10, $0x1;
	s10 =	sld [smem:$0x3FB4]  }
0x3d: {  	_ =	shalt  }
0x3e: {  	_ =	shalt  }
0x3f: {  	_ =	shalt  }
0x40: {  	_ =	shalt  }
0x41: {  	_ =	shalt  }
0x42: {  	_ =	shalt  }
0x43: {  	_ =	shalt  }
0x44: {  	_ =	shalt  }
0x45: {  	_ =	shalt  }
0x46: {  	_ =	shalt  }
0x47: {  	_ =	shalt  }
0x48: {  	_ =	shalt  }
0x49: {  	_ =	shalt  }
0x4a: {  	_ =	shalt  }
0x4b: {  	_ =	shalt  }
0x4c: {  	_ =	shalt  }
0x4d: {  	_ =	shalt  }
0x4e: {  	_ =	shalt  }
0x4f: {  	_ =	shalt  }
0x50: {  	_ =	shalt  }
0x51: {  	_ =	shalt  }
0x52: {  	_ =	shalt  }
0x53: {  	_ =	shalt  }
0x54: {  	_ =	shalt  }
0x55: {  	_ =	shalt  }
0x56: {  	_ =	shalt  }
0x57: {  	_ =	shalt  }
0x58: {  	_ =	shalt  }
0x59: {  	_ =	shalt  }
0x5a: {  	_ =	shalt  }
0x5b: {  	_ =	shalt  }
0x5c: {  	_ =	shalt  }
0x5d: {  	_ =	shalt  }
0x5e: {  	_ =	shalt  }
0x5f: {  	_ =	shalt  }
0x60: {  	_ =	shalt  }
0x61: {  	_ =	shalt  }
0x62: {  	_ =	shalt  }
0x63: {  	_ =	shalt  }
0x64: {  	_ =	shalt  }
0x65: {  	_ =	shalt  }
0x66: {  	_ =	shalt  }
0x67: {  	_ =	shalt  }
0x68: {  	_ =	shalt  }
0x69: {  	_ =	shalt  }
0x6a: {  	_ =	shalt  }
0x6b: {  	_ =	shalt  }
0x6c: {  	_ =	shalt  }
0x6d: {  	_ =	shalt  }
0x6e: {  	_ =	shalt  }
0x6f: {  	_ =	shalt  }
0x70: {  	_ =	shalt  }
0x71: {  	_ =	shalt  }
0x72: {  	_ =	shalt  }
0x73: {  	_ =	shalt  }
0x74: {  	_ =	shalt  }
0x75: {  	_ =	shalt  }
0x76: {  	_ =	shalt  }
0x77: {  	_ =	shalt  }
0x78: {  	_ =	shalt  }
0x79: {  	_ =	shalt  }
0x7a: {  	_ =	shalt  }
0x7b: {  	_ =	shalt  }
0x7c: {  	_ =	shalt  }
0x7d: {  	_ =	shalt  }
0x7e: {  	_ =	shalt  }
0x7f: {  	_ =	shalt  }
0x80: {  	_ =	shalt  }
0x81: {  	_ =	shalt  }
0x82: {  	_ =	shalt  }
0x83: {  	_ =	shalt  }
0x84: {  	_ =	shalt  }
0x85: {  	_ =	shalt  }
0x86: {  	_ =	shalt  }
0x87: {  	_ =	shalt  }
.Lfunc_end0:
.L_simem_size_0:
called_computation_lowered:
.L_overlay_start_0:
0x88: {  	s2 =	sld [smem:$0x3FD9]  }
0x89: {  	s3 =	sld [smem:$0x3FFE];
	_ =	sdelay $0x1  }
0x8a: {  	s1 =	srdreg.scid  }
0x8b: {  	s0 =	sand.u32 $0x1, s1  }
0x8c: {  	s14 =	sshll.u32 s0, $0xA;
	s2 =	sadd.s32 s3, s2  }
0x8d: {  	s2 =	sadd.s32 s2, s14  }
0x8e: {  	[smem:$0x3FC0] =	sst s2  }
0x8f: {  	_ = 	snop  }
0x90: {  	s2 =	sld [smem:$0x3FD0];
	_ =	sdelay $0x1  }
0x91: {  	s15 =	sld [smem:$0x3FC9]  }
0x92: {  	s5 =	simm.s32 $0xA;
	s6 =	simm.s32 $0x10;
	s4 =	sld [smem:$0x3FC8]  }
0x93: {  	[smem:s6], [sflag:s5] =	dma.local [hbm:s2], $0x1  }
0x94: {  	_ =	swait.eq [sflag:s5], $0x1  }
0x95: {  	s16 =	sld [smem:$0x10]  }
0x96: {  	s17 =	sld [smem:$0x11];
	[sflag:s5] =	ssyncset.done $0x0  }
0x97: {  	s7 =	sld [smem:$0x12];
	[sflag:s5] =	ssyncadd.s32 $0xFFFFFFFF  }
0x98: {  	s18 =	sld [smem:$0x13];
	(tm) =	ssettm $0x1  }
0x99: {  	s8 =	sld [smem:$0x3FFB];
	_ =	sdelay $0x3  }
0x9a: {  	_ =	strace s8  }
0x9b: {  	s8 =	sld [smem:$0x3FFC];
	_ =	sdelay $0x3  }
0x9c: {  	_ =	strace s8  }
0x9d: {  	s8 =	sld [smem:$0x3FFD];
	_ =	sdelay $0x3  }
0x9e: {  	_ =	strace s8  }
0x9f: {  	_ =	strace $0x8FFFFFFF  }
0xa0: {  	s19 =	sld [smem:$0x3FDB];
	_ =	sdelay $0x1  }
0xa1: {  	s9 =	simm.s32 $_scs_section_size  }
0xa2: {  	s10 =	simm.s32 $_size__tile_overlayer_lowered;
	s11 =	simm.s32 $_tile_overlayer_lowered  }
0xa3: {  	s22 =	simm.s32 $0x1BFF;
	s21 =	sshll.u32 s11, $0x1;
	s8 =	sadd.s32 s9, s19  }
0xa4: {  	s12 =	simm.s32 $0x0;
	s20 =	sshll.u32 s10, $0x1;
	s10 =	sadd.s32 s21, s8  }
0xa5: {  	[timem:s12], [sflag:s22] =	dma.local [hbm:s10], s20  }
0xa6: {  	_ =	swait.ge [sflag:s22], s20  }
0xa7: {  	s9 =	ssub.s32 $0x0, s20;
	[sflag:s22] =	ssyncset.done $0x0  }
0xa8: {  	[sflag:s22] =	ssyncadd.s32 s9;
	_ =	sdelay $0x1  }
0xa9: {  	s23 =	simm.s32 $0x1B8B  }
0xaa: {  	_ =	swait.ge [sflag:s23], $0x1  }
0xab: {  	[sflag:s23] =	ssyncset.done $0x0  }
0xac: {  	s25 =	simm.s32 $0x1B8E;
	s24 =	sld [smem:$0x3FFE];
	[sflag:s23] =	ssyncadd.s32 $0xFFFFFFFF  }
0xad: {  	s26 =	simm.s32 $execute0_lowered;
	[smem:$0x3FD2] =	sst s25  }
0xae: {  	s10 =	sshll.u32 s26, $0x1;
	_ =	strace $0x80000046;
	[dreg:$0x1] =	wrdreg $0xFFFFFFFF  }
0xaf: {  	s28 =	simm.s32 $_size_execute0_lowered;
	s8 =	sadd.s32 s8, s10;
	[dreg:$0x0] =	wrdreg $0x0  }
0xb0: {  	s10 =	sshll.u32 s28, $0x1;
	[dreg:$0x2] =	wrdreg s8  }
0xb1: {  	[dreg:$0x3] =	wrdreg s10  }
0xb2: {  	[dreg:$0x4] =	wrdreg $0xC0  }
0xb3: {  	_ =	task [dreg:s12], $0x5FFFF  }
0xb4: {  	[dreg:$0x1] =	wrdreg $0xFFFFFFFF  }
0xb5: {  	[dreg:$0x0] =	wrdreg $0x60  }
0xb6: {  	[dreg:$0x2] =	wrdreg s15  }
0xb7: {  	[dreg:$0x3] =	wrdreg s4  }
0xb8: {  	[dreg:$0x4] =	wrdreg s24  }
0xb9: {  	[dreg:$0x5] =	wrdreg s7  }
0xba: {  	[dreg:$0x6] =	wrdreg s16  }
0xbb: {  	[dreg:$0x7] =	wrdreg s17  }
0xbc: {  	[dreg:$0x8] =	wrdreg s18  }
0xbd: {  	[dreg:$0x9] =	wrdreg $0x9  }
0xbe: {  	_ =	task.clear_ibuf [dreg:s12], $0xAFFFF;
	_ =	strace $0x90000046  }
0xbf: {  	s29 =	simm.s32 $0x9;
	_ =	strace $0x80000048  }
0xc0: {  	_ =	swait.ge [sflag:s29], $0x1  }
0xc1: {  	[sflag:s29] =	ssyncadd.s32 $0xFFFFFFFF  }
0xc2: {  	_ =	strace $0x90000048  }
0xc3: {  	_ =	sfence  }
0xc4: {  	s30 =	sld [smem:$0x0];
	_ =	sdelay $0x2  }
0xc5: {  	s31 =	sshll.u32 s1, $0xD;
	s1 =	sshrl.u32 s1, $0x2  }
0xc6: {  	s3 =	sand.u32 $0x4000, s31;
	s1 =	sadd.s32 s1, s30  }
0xc7: {  	s0 =	sor.u32 s3, s0;
	s1 =	sshll.u32 s1, $0x11  }
0xc8: {  	s0 =	sor.u32 s1, s0  }
0xc9: {  	s0 =	sadd.s32 $0x8F2B, s0  }
0xca: {  	[sflag:s0] =	ssyncadd.remote.s32 $0x1  }
0xcb: {  	_ =	sfence.sel $0xFFFF  }
0xcc: {  	[dreg:$0x0] =	wrdreg $0xFFFFFFFF;
	(pc) =	sbr.abs _section_cstart, $3  }
0xcd: {  	[dreg:$0x1] =	wrdreg $0xFFFFFFFF  }
0xce: {  	_ =	task.clear_ibuf [dreg:s12], $0x2FFFF;
	_ =	strace $0x9FFFFFFF  }
0xcf: {  	(tm) =	ssettm $0x7FFFFFFF  }
tec
execute0_lowered:
.L_overlay_start_1:
0x0: {  	(tag) =	ssettag $0x1  }
0x1: {  	s0 =	rddreg [dreg:$0x0]  }
0x2: {  	s2 =	rddreg [dreg:$0x1]  }
0x3: {  	s4 =	rddreg [dreg:$0x2]  }
0x4: {  	s1 =	rddreg [dreg:$0x3]  }
0x5: {  	s14 =	rddreg [dreg:$0x4]  }
0x6: {  	s12 =	rddreg [dreg:$0x6];
	s3 =	simm.s32 $0x0  }
0x7: {  	s7 =	srdreg.scid;
	s8 =	stileid.u32;
	s17 =	simm.s32 $0x200  }
0x8: {  	s20 =	simm.s32 $0x80;
	s21 =	simm.s32 $0x400;
	s22 =	simm.s32 $0x4400  }
0x9: {  	s24 =	simm.s32 $0x280;
	s29 =	simm.s32 $0x100;
	s31 =	simm.s32 $0x300  }
0xa: {  	s23 =	simm.s32 $0x380;
	s30 =	simm.s32 $0x1;
	[smem:$0x7FF] =	sst s3  }
0xb: {  	s5 =	sadd.s32 $0xF42800, s4;
	s6 =	sadd.s32 $0x186E00, s4;
	s10 =	sand.u32 $0x1, s7  }
0xc: {  	s9 =	sshll.u32 s8, $0x1;
	s7 =	sadd.s32 $0x400, s4;
	s8 =	sadd.s32 $0x1F000, s4  }
0xd: {  	_ =	strace $0x80000047;
	s18 =	sor.u32 s10, s9;
	s10 =	ssub.s32 $0x2, s10  }
0xe: {  	s9 =	sadd.s32 $0x1EE00, s4;
	s13 =	sshll.u32 s18, $0xB;
	s11 =	sshrl.u32 s10, $0x1  }
0xf: {  	s15 =	sshll.u32 s18, $0x6;
	p0 =	sne.s32 s18, $0x0;
	s18 =	simm.s32 $0x180  }
0x10: {  	s4 =	sadd.s32 s13, s4;
	s16 =	ssub.s32 s10, s11;
	s10 =	sadd.s32 s0, s15  }
0x11: {  	v0 =	vlaneseq.u32;
	s11 =	sadd.s32 s2, s15;
	s12 =	sadd.s32 s12, s13;
	s14 =	sadd.s32 s14, s15  }
0x12: {  	v0 =	vmul.u32 $0x20, v0;
	s0 =	simm.s32 $0x8800;
	s2 =	simm.s32 $0x0;
	s13 =	sadd.s32 $0x1F200, s4  }
0x13: {  	s15 =	smax.u32 s16, $0x1;
	s16 =	simm.s32 $0x3;
	s4 =	simm.s32 $0x2  }
.LBB2_1:
0x14: {  	[tilespmem:s3], [sflag:$0x3] =	stream.linear.gather [hbm4b:s10+s3], $0x200, $0x38;
	[tilespmem:$0x8A20] =	vst v63  }
0x15: {  	_ =	swait.ge [sflag:s16], $0x200  }
0x16: {  	[sflag:s16] =	ssyncset.done $0x0  }
0x17: {  	[sflag:s16] =	ssyncadd.s32 $0xFFFFFE00  }
0x18: {  	[tilespmem:s17], [sflag:$0x3] =	stream.linear.gather [hbm4b:s11+s3], $0x200, $0x38;
	[tilespmem:$0x8A20] =	vst v63  }
0x19: {  	_ =	swait.ge [sflag:s16], $0x200  }
0x1a: {  	[sflag:s16] =	ssyncset.done $0x0  }
0x1b: {  	s19 =	simm.s32 $0x8A00;
	[sflag:s16] =	ssyncadd.s32 $0xFFFFFE00  }
0x1c: {  	[tilespmem:s19], [sflag:$0x3] =	stream.linear.gather [hbm4b:s8+s3], $0x10, $0x38;
	[tilespmem:$0x8A20] =	vst v63  }
0x1d: {  	_ =	swait.ge [sflag:s16], $0x10  }
0x1e: {  	[sflag:s16] =	ssyncset.done $0x0  }
0x1f: {  	s25 =	simm.s32 $0x8A10;
	[sflag:s16] =	ssyncadd.s32 $0xFFFFFFF0  }
0x20: {  	[tilespmem:s25], [sflag:$0x3] =	stream.linear.gather [hbm4b:s9+s3], $0x10, $0x38;
	[tilespmem:$0x8A20] =	vst v63  }
0x21: {  	_ =	swait.ge [sflag:s16], $0x10  }
0x22: {  	[sflag:s16] =	ssyncset.done $0x0  }
0x23: {  	[sflag:s16] =	ssyncadd.s32 $0xFFFFFFF0  }
0x24: {  	[tilespmem:s21], [sflag:$0x1] =	stream.indirect.gather [hbm4b:s5+s20], $0x20, s3, s20, $0xb8;
	[tilespmem:$0x8A20] =	vst v63  }
0x25: {  	_ = 	snop  }
0x26: {  	[tilespmem:s22], [sflag:$0x1] =	stream.indirect.gather [hbm4b:s6+s20], $0x20, s17, s20, $0xb8;
	[tilespmem:$0x8A20] =	vst v63  }
0x27: {  	s25 =	simm.s32 $0x8400  }
0x28: {  	[tilespmem:s25], [sflag:$0x1] =	stream.indirect.gather [hbm4b:s7+s20], $0x1, s3, s20, $0xb8;
	[tilespmem:$0x8A20] =	vst v63  }
0x29: {  	s19 =	simm.s32 $0x8600  }
0x2a: {  	[tilespmem:s19], [sflag:$0x1] =	stream.indirect.gather [hbm4b:s1+s20], $0x1, s17, s20, $0xb8;
	[tilespmem:$0x8A20] =	vst v63  }
0x2b: {  	s26 =	simm.s32 $0x1400  }
0x2c: {  	[tilespmem:s26], [sflag:$0x1] =	stream.indirect.gather [hbm4b:s5+s20], $0x20, s20, s20, $0xb8;
	[tilespmem:$0x8A20] =	vst v63  }
0x2d: {  	s26 =	simm.s32 $0x5400  }
0x2e: {  	[tilespmem:s26], [sflag:$0x1] =	stream.indirect.gather [hbm4b:s6+s20], $0x20, s24, s20, $0xb8;
	[tilespmem:$0x8A20] =	vst v63  }
0x2f: {  	s26 =	simm.s32 $0x8480  }
0x30: {  	[tilespmem:s26], [sflag:$0x1] =	stream.indirect.gather [hbm4b:s7+s20], $0x1, s20, s20, $0xb8;
	[tilespmem:$0x8A20] =	vst v63  }
0x31: {  	s26 =	simm.s32 $0x8680  }
0x32: {  	[tilespmem:s26], [sflag:$0x1] =	stream.indirect.gather [hbm4b:s1+s20], $0x1, s24, s20, $0xb8;
	[tilespmem:$0x8A20] =	vst v63  }
0x33: {  	s26 =	simm.s32 $0x2400  }
0x34: {  	[tilespmem:s26], [sflag:$0x1] =	stream.indirect.gather [hbm4b:s5+s20], $0x20, s29, s20, $0xb8;
	[tilespmem:$0x8A20] =	vst v63  }
0x35: {  	s26 =	simm.s32 $0x6400  }
0x36: {  	[tilespmem:s26], [sflag:$0x1] =	stream.indirect.gather [hbm4b:s6+s20], $0x20, s31, s20, $0xb8;
	[tilespmem:$0x8A20] =	vst v63  }
0x37: {  	s26 =	simm.s32 $0x8500  }
0x38: {  	[tilespmem:s26], [sflag:$0x1] =	stream.indirect.gather [hbm4b:s7+s20], $0x1, s29, s20, $0xb8;
	[tilespmem:$0x8A20] =	vst v63  }
0x39: {  	s26 =	simm.s32 $0x8700  }
0x3a: {  	[tilespmem:s26], [sflag:$0x1] =	stream.indirect.gather [hbm4b:s1+s20], $0x1, s31, s20, $0xb8;
	[tilespmem:$0x8A20] =	vst v63  }
0x3b: {  	s26 =	simm.s32 $0x3400  }
0x3c: {  	[tilespmem:s26], [sflag:$0x1] =	stream.indirect.gather [hbm4b:s5+s20], $0x20, s18, s20, $0xb8;
	[tilespmem:$0x8A20] =	vst v63  }
0x3d: {  	s26 =	simm.s32 $0x7400  }
0x3e: {  	[tilespmem:s26], [sflag:$0x1] =	stream.indirect.gather [hbm4b:s6+s20], $0x20, s23, s20, $0xb8;
	[tilespmem:$0x8A20] =	vst v63  }
0x3f: {  	s26 =	simm.s32 $0x8580  }
0x40: {  	[tilespmem:s26], [sflag:$0x1] =	stream.indirect.gather [hbm4b:s7+s20], $0x1, s18, s20, $0xb8;
	[tilespmem:$0x8A20] =	vst v63  }
0x41: {  	s26 =	simm.s32 $0x8780  }
0x42: {  	[tilespmem:s26], [sflag:$0x1] =	stream.indirect.gather [hbm4b:s1+s20], $0x1, s23, s20, $0xb8;
	[tilespmem:$0x8A20] =	vst v63  }
0x43: {  	_ =	swait.ge [sflag:s30], $0x1000  }
0x44: {  	[sflag:s30] =	ssyncset.done $0x0  }
0x45: {  	[sflag:s30] =	ssyncadd.s32 $0xFFFFF000  }
0x46: {  	_ =	swait.ge [sflag:s30], $0x1000  }
0x47: {  	[sflag:s30] =	ssyncset.done $0x0  }
0x48: {  	[sflag:s30] =	ssyncadd.s32 $0xFFFFF000  }
0x49: {  	_ =	swait.ge [sflag:s30], $0x80  }
0x4a: {  	[sflag:s30] =	ssyncset.done $0x0  }
0x4b: {  	[sflag:s30] =	ssyncadd.s32 $0xFFFFFF80  }
0x4c: {  	_ =	swait.ge [sflag:s30], $0x80  }
0x4d: {  	[sflag:s30] =	ssyncset.done $0x0  }
0x4e: {  	[sflag:s30] =	ssyncadd.s32 $0xFFFFFF80  }
0x4f: {  	_ =	swait.ge [sflag:s30], $0x1000  }
0x50: {  	[sflag:s30] =	ssyncset.done $0x0  }
0x51: {  	[sflag:s30] =	ssyncadd.s32 $0xFFFFF000  }
0x52: {  	_ =	swait.ge [sflag:s30], $0x1000  }
0x53: {  	[sflag:s30] =	ssyncset.done $0x0  }
0x54: {  	[sflag:s30] =	ssyncadd.s32 $0xFFFFF000  }
0x55: {  	_ =	swait.ge [sflag:s30], $0x80  }
0x56: {  	[sflag:s30] =	ssyncset.done $0x0  }
0x57: {  	[sflag:s30] =	ssyncadd.s32 $0xFFFFFF80  }
0x58: {  	_ =	swait.ge [sflag:s30], $0x80  }
0x59: {  	[sflag:s30] =	ssyncset.done $0x0  }
0x5a: {  	[sflag:s30] =	ssyncadd.s32 $0xFFFFFF80  }
0x5b: {  	_ =	swait.ge [sflag:s30], $0x1000  }
0x5c: {  	[sflag:s30] =	ssyncset.done $0x0  }
0x5d: {  	[sflag:s30] =	ssyncadd.s32 $0xFFFFF000  }
0x5e: {  	_ =	swait.ge [sflag:s30], $0x1000  }
0x5f: {  	[sflag:s30] =	ssyncset.done $0x0  }
0x60: {  	[sflag:s30] =	ssyncadd.s32 $0xFFFFF000  }
0x61: {  	_ =	swait.ge [sflag:s30], $0x80  }
0x62: {  	[sflag:s30] =	ssyncset.done $0x0  }
0x63: {  	[sflag:s30] =	ssyncadd.s32 $0xFFFFFF80  }
0x64: {  	_ =	swait.ge [sflag:s30], $0x80  }
0x65: {  	[sflag:s30] =	ssyncset.done $0x0  }
0x66: {  	[sflag:s30] =	ssyncadd.s32 $0xFFFFFF80  }
0x67: {  	_ =	swait.ge [sflag:s30], $0x1000  }
0x68: {  	[sflag:s30] =	ssyncset.done $0x0  }
0x69: {  	[sflag:s30] =	ssyncadd.s32 $0xFFFFF000  }
0x6a: {  	_ =	swait.ge [sflag:s30], $0x1000  }
0x6b: {  	[sflag:s30] =	ssyncset.done $0x0  }
0x6c: {  	[sflag:s30] =	ssyncadd.s32 $0xFFFFF000  }
0x6d: {  	_ =	swait.ge [sflag:s30], $0x80  }
0x6e: {  	[sflag:s30] =	ssyncset.done $0x0  }
0x6f: {  	v1 =	vmov s3;
	[sflag:s30] =	ssyncadd.s32 $0xFFFFFF80  }
0x70: {  	v1 =	vshll.u32 v1, $0x5;
	_ =	swait.ge [sflag:s30], $0x80  }
0x71: {  	v1 =	vor.u32 v0, v1;
	[sflag:s30] =	ssyncset.done $0x0  }
0x72: {  	[sflag:s30] =	ssyncadd.s32 $0xFFFFFF80  }
0x73: {  	v2 =	vor.u32 $0x1, v1;
	[hbm4b:s12+s3] =	stream.linear.scatter [tilespmem:s21], [sflag:$0x2], $0x4000, $0x38;
	[tilespmem:$0x8A20] =	vst v63  }
0x74: {  	_ = 	snop  }
0x75: {  	v3 =	vor.u32 $0x2, v1;
	[hbm4b:s13+s3] =	stream.linear.scatter [tilespmem:s22], [sflag:$0x2], $0x4000, $0x38;
	[tilespmem:$0x8A20] =	vst v63  }
0x76: {  	v4 =	vld.idx.msk [tilespmem:v1+s22+$0x0], $0xffff  }
0x77: {  	v6 =	vor.u32 $0x3, v1;
	v5 =	vld.idx.msk [tilespmem:v1+s21+$0x0], $0xffff  }
0x78: {  	v7 =	vld.idx.msk [tilespmem:v2+s21+$0x0], $0xffff  }
0x79: {  	v8 =	vor.u32 $0x4, v1;
	v2 =	vld.idx.msk [tilespmem:v2+s22+$0x0], $0xffff  }
0x7a: {  	v9 =	vld.idx.msk [tilespmem:v3+s21+$0x0], $0xffff  }
0x7b: {  	v10 =	vor.u32 $0x5, v1;
	v3 =	vld.idx.msk [tilespmem:v3+s22+$0x0], $0xffff  }
0x7c: {  	v11 =	vld.idx.msk [tilespmem:v6+s21+$0x0], $0xffff;
	v4 =	vmul.f32 v4, v5  }
0x7d: {  	v5 =	vld.idx.msk [tilespmem:v6+s22+$0x0], $0xffff;
	v6 =	vor.u32 $0x6, v1  }
0x7e: {  	v12 =	vld.idx.msk [tilespmem:v8+s21+$0x0], $0xffff;
	v2 =	vmul.f32 v2, v7;
	v4 =	vadd.f32 $0.0e+00, v4  }
0x7f: {  	v63 =	vor.u32 $0x7, v1;
	v7 =	vld.idx.msk [tilespmem:v8+s22+$0x0], $0xffff  }
0x80: {  	v13 =	vld.idx.msk [tilespmem:v10+s21+$0x0], $0xffff;
	v3 =	vmul.f32 v3, v9;
	v2 =	vadd.f32 v2, v4  }
0x81: {  	v16 =	vor.u32 $0x8, v1;
	v4 =	vld.idx.msk [tilespmem:v10+s22+$0x0], $0xffff  }
0x82: {  	v17 =	vld.idx.msk [tilespmem:v6+s21+$0x0], $0xffff;
	v2 =	vadd.f32 v3, v2;
	v3 =	vmul.f32 v5, v11  }
0x83: {  	v5 =	vld.idx.msk [tilespmem:v6+s22+$0x0], $0xffff;
	v6 =	vor.u32 $0x9, v1  }
0x84: {  	v18 =	vld.idx.msk [tilespmem:v63+s21+$0x0], $0xffff;
	v2 =	vadd.f32 v3, v2;
	v3 =	vmul.f32 v7, v12  }
0x85: {  	v19 =	vor.u32 $0xA, v1;
	v7 =	vld.idx.msk [tilespmem:v63+s22+$0x0], $0xffff  }
0x86: {  	v20 =	vld.idx.msk [tilespmem:v16+s21+$0x0], $0xffff;
	v2 =	vadd.f32 v3, v2;
	v3 =	vmul.f32 v4, v13  }
0x87: {  	v21 =	vor.u32 $0xB, v1;
	v4 =	vld.idx.msk [tilespmem:v16+s22+$0x0], $0xffff  }
0x88: {  	v22 =	vld.idx.msk [tilespmem:v6+s21+$0x0], $0xffff;
	v2 =	vadd.f32 v3, v2;
	v3 =	vmul.f32 v5, v17  }
0x89: {  	v5 =	vld.idx.msk [tilespmem:v6+s22+$0x0], $0xffff;
	v6 =	vor.u32 $0xC, v1  }
0x8a: {  	v23 =	vld.idx.msk [tilespmem:v19+s21+$0x0], $0xffff;
	v2 =	vadd.f32 v3, v2;
	v3 =	vmul.f32 v7, v18  }
0x8b: {  	v24 =	vor.u32 $0xD, v1;
	v7 =	vld.idx.msk [tilespmem:v19+s22+$0x0], $0xffff  }
0x8c: {  	v25 =	vld.idx.msk [tilespmem:v21+s21+$0x0], $0xffff;
	v2 =	vadd.f32 v3, v2;
	v3 =	vmul.f32 v4, v20  }
0x8d: {  	v26 =	vor.u32 $0xE, v1;
	v4 =	vld.idx.msk [tilespmem:v21+s22+$0x0], $0xffff  }
0x8e: {  	v27 =	vld.idx.msk [tilespmem:v6+s21+$0x0], $0xffff;
	v2 =	vadd.f32 v3, v2;
	v3 =	vmul.f32 v5, v22  }
0x8f: {  	v5 =	vld.idx.msk [tilespmem:v6+s22+$0x0], $0xffff;
	v6 =	vor.u32 $0xF, v1  }
0x90: {  	v28 =	vld.idx.msk [tilespmem:v24+s21+$0x0], $0xffff;
	v2 =	vadd.f32 v3, v2;
	v3 =	vmul.f32 v7, v23  }
0x91: {  	v29 =	vor.u32 $0x10, v1;
	v7 =	vld.idx.msk [tilespmem:v24+s22+$0x0], $0xffff  }
0x92: {  	v30 =	vld.idx.msk [tilespmem:v26+s21+$0x0], $0xffff;
	v2 =	vadd.f32 v3, v2;
	v3 =	vmul.f32 v4, v25  }
0x93: {  	v31 =	vor.u32 $0x11, v1;
	v4 =	vld.idx.msk [tilespmem:v26+s22+$0x0], $0xffff  }
0x94: {  	v32 =	vld.idx.msk [tilespmem:v6+s21+$0x0], $0xffff;
	v2 =	vadd.f32 v3, v2;
	v3 =	vmul.f32 v5, v27  }
0x95: {  	v5 =	vld.idx.msk [tilespmem:v6+s22+$0x0], $0xffff;
	v6 =	vor.u32 $0x12, v1  }
0x96: {  	v33 =	vld.idx.msk [tilespmem:v29+s21+$0x0], $0xffff;
	v2 =	vadd.f32 v3, v2;
	v3 =	vmul.f32 v7, v28  }
0x97: {  	v34 =	vor.u32 $0x13, v1;
	v7 =	vld.idx.msk [tilespmem:v29+s22+$0x0], $0xffff  }
0x98: {  	v35 =	vld.idx.msk [tilespmem:v31+s21+$0x0], $0xffff;
	v2 =	vadd.f32 v3, v2;
	v3 =	vmul.f32 v4, v30  }
0x99: {  	v36 =	vor.u32 $0x14, v1;
	v4 =	vld.idx.msk [tilespmem:v31+s22+$0x0], $0xffff  }
0x9a: {  	v37 =	vld.idx.msk [tilespmem:v6+s21+$0x0], $0xffff;
	v2 =	vadd.f32 v3, v2;
	v3 =	vmul.f32 v5, v32  }
0x9b: {  	v5 =	vld.idx.msk [tilespmem:v6+s22+$0x0], $0xffff;
	v6 =	vor.u32 $0x15, v1  }
0x9c: {  	v38 =	vld.idx.msk [tilespmem:v34+s21+$0x0], $0xffff;
	v2 =	vadd.f32 v3, v2;
	v3 =	vmul.f32 v7, v33  }
0x9d: {  	v39 =	vor.u32 $0x16, v1;
	v7 =	vld.idx.msk [tilespmem:v34+s22+$0x0], $0xffff  }
0x9e: {  	v40 =	vld.idx.msk [tilespmem:v36+s21+$0x0], $0xffff;
	v2 =	vadd.f32 v3, v2;
	v3 =	vmul.f32 v4, v35  }
0x9f: {  	v41 =	vor.u32 $0x17, v1;
	v4 =	vld.idx.msk [tilespmem:v36+s22+$0x0], $0xffff  }
0xa0: {  	v42 =	vld.idx.msk [tilespmem:v6+s21+$0x0], $0xffff;
	v2 =	vadd.f32 v3, v2;
	v3 =	vmul.f32 v5, v37  }
0xa1: {  	v5 =	vld.idx.msk [tilespmem:v6+s22+$0x0], $0xffff;
	v6 =	vor.u32 $0x18, v1  }
0xa2: {  	v43 =	vld.idx.msk [tilespmem:v39+s21+$0x0], $0xffff;
	v2 =	vadd.f32 v3, v2;
	v3 =	vmul.f32 v7, v38  }
0xa3: {  	v44 =	vor.u32 $0x19, v1;
	v7 =	vld.idx.msk [tilespmem:v39+s22+$0x0], $0xffff  }
0xa4: {  	v45 =	vld.idx.msk [tilespmem:v41+s21+$0x0], $0xffff;
	v2 =	vadd.f32 v3, v2;
	v3 =	vmul.f32 v4, v40  }
0xa5: {  	v46 =	vor.u32 $0x1A, v1;
	v4 =	vld.idx.msk [tilespmem:v41+s22+$0x0], $0xffff  }
0xa6: {  	v47 =	vld.idx.msk [tilespmem:v6+s21+$0x0], $0xffff;
	v2 =	vadd.f32 v3, v2;
	v3 =	vmul.f32 v5, v42  }
0xa7: {  	v5 =	vld.idx.msk [tilespmem:v6+s22+$0x0], $0xffff;
	v6 =	vor.u32 $0x1B, v1  }
0xa8: {  	v48 =	vld.idx.msk [tilespmem:v44+s21+$0x0], $0xffff;
	v2 =	vadd.f32 v3, v2;
	v3 =	vmul.f32 v7, v43  }
0xa9: {  	v49 =	vor.u32 $0x1C, v1;
	v7 =	vld.idx.msk [tilespmem:v44+s22+$0x0], $0xffff  }
0xaa: {  	v50 =	vld.idx.msk [tilespmem:v46+s21+$0x0], $0xffff;
	v2 =	vadd.f32 v3, v2;
	v3 =	vmul.f32 v4, v45  }
0xab: {  	v51 =	vor.u32 $0x1D, v1;
	v4 =	vld.idx.msk [tilespmem:v46+s22+$0x0], $0xffff  }
0xac: {  	v52 =	vld.idx.msk [tilespmem:v6+s21+$0x0], $0xffff;
	v2 =	vadd.f32 v3, v2;
	v3 =	vmul.f32 v5, v47  }
0xad: {  	v5 =	vld.idx.msk [tilespmem:v6+s22+$0x0], $0xffff;
	v6 =	vor.u32 $0x1E, v1  }
0xae: {  	v53 =	vld.idx.msk [tilespmem:v49+s21+$0x0], $0xffff;
	v2 =	vadd.f32 v3, v2;
	v3 =	vmul.f32 v7, v48  }
0xaf: {  	v1 =	vor.u32 $0x1F, v1;
	v7 =	vld.idx.msk [tilespmem:v49+s22+$0x0], $0xffff  }
0xb0: {  	v54 =	vld.idx.msk [tilespmem:v51+s21+$0x0], $0xffff;
	v2 =	vadd.f32 v3, v2;
	v3 =	vmul.f32 v4, v50  }
0xb1: {  	v4 =	vld.idx.msk [tilespmem:v51+s22+$0x0], $0xffff  }
0xb2: {  	v55 =	vld.idx.msk [tilespmem:v6+s21+$0x0], $0xffff;
	v2 =	vadd.f32 v3, v2;
	v3 =	vmul.f32 v5, v52  }
0xb3: {  	v5 =	vld.idx.msk [tilespmem:v6+s22+$0x0], $0xffff  }
0xb4: {  	v6 =	vld.idx.msk [tilespmem:v1+s21+$0x0], $0xffff;
	v2 =	vadd.f32 v3, v2;
	v3 =	vmul.f32 v7, v53  }
0xb5: {  	v1 =	vld.idx.msk [tilespmem:v1+s22+$0x0], $0xffff  }
0xb6: {  	v2 =	vadd.f32 v3, v2;
	v3 =	vmul.f32 v4, v54;
	_ =	sdelay $0x1  }
0xb7: {  	v2 =	vadd.f32 v3, v2;
	v3 =	vmul.f32 v5, v55  }
0xb8: {  	v4 =	vld [tilespmem:s25+$0x0]  }
0xb9: {  	v1 =	vmul.f32 v1, v6;
	v2 =	vadd.f32 v3, v2  }
0xba: {  	v3 =	vld [tilespmem:s19+$0x0]  }
0xbb: {  	v2 =	vadd.f32 v1, v2  }
0xbc: {  	s26 =	simm.s32 $0x10;
	v1 =	vld [tilespmem:$0x8A00]  }
0xbd: {  	v5 =	vmov s26;
	v4 =	vadd.f32 v2, v4  }
0xbe: {  	v2 =	vshll.u32 v5, $0x5  }
0xbf: {  	v2 =	vor.u32 v0, v2;
	v3 =	vadd.f32 v4, v3;
	_ =	sdelay $0x1  }
0xc0: {  	v4 =	vor.u32 $0x1, v2;
	v3 =	vadd.f32 v3, v1;
	_ =	sdelay $0x1  }
0xc1: {  	v5 =	vor.u32 $0x2, v2;
	[tilespmem:s0+$0x0] =	vst v3  }
0xc2: {  	v3 =	vld.idx.msk [tilespmem:v2+s22+$0x0], $0xffff  }
0xc3: {  	v7 =	vor.u32 $0x3, v2;
	v6 =	vld.idx.msk [tilespmem:v2+s21+$0x0], $0xffff  }
0xc4: {  	v56 =	vld.idx.msk [tilespmem:v4+s21+$0x0], $0xffff  }
0xc5: {  	v57 =	vor.u32 $0x4, v2;
	v4 =	vld.idx.msk [tilespmem:v4+s22+$0x0], $0xffff  }
0xc6: {  	v58 =	vld.idx.msk [tilespmem:v5+s21+$0x0], $0xffff  }
0xc7: {  	v59 =	vor.u32 $0x5, v2;
	v5 =	vld.idx.msk [tilespmem:v5+s22+$0x0], $0xffff  }
0xc8: {  	v60 =	vld.idx.msk [tilespmem:v7+s21+$0x0], $0xffff;
	v3 =	vmul.f32 v3, v6  }
0xc9: {  	v6 =	vld.idx.msk [tilespmem:v7+s22+$0x0], $0xffff;
	v7 =	vor.u32 $0x6, v2  }
0xca: {  	v61 =	vld.idx.msk [tilespmem:v57+s21+$0x0], $0xffff;
	v4 =	vmul.f32 v4, v56;
	v3 =	vadd.f32 $0.0e+00, v3  }
0xcb: {  	v63 =	vor.u32 $0x7, v2;
	v62 =	vld.idx.msk [tilespmem:v57+s22+$0x0], $0xffff  }
0xcc: {  	v14 =	vld.idx.msk [tilespmem:v59+s21+$0x0], $0xffff;
	v3 =	vadd.f32 v4, v3;
	v4 =	vmul.f32 v5, v58  }
0xcd: {  	v16 =	vor.u32 $0x8, v2;
	v5 =	vld.idx.msk [tilespmem:v59+s22+$0x0], $0xffff  }
0xce: {  	v17 =	vld.idx.msk [tilespmem:v7+s21+$0x0], $0xffff;
	v3 =	vadd.f32 v4, v3;
	v4 =	vmul.f32 v6, v60  }
0xcf: {  	v6 =	vld.idx.msk [tilespmem:v7+s22+$0x0], $0xffff;
	v7 =	vor.u32 $0x9, v2  }
0xd0: {  	v18 =	vld.idx.msk [tilespmem:v63+s21+$0x0], $0xffff;
	v3 =	vadd.f32 v4, v3;
	v4 =	vmul.f32 v62, v61  }
0xd1: {  	v20 =	vor.u32 $0xA, v2;
	v19 =	vld.idx.msk [tilespmem:v63+s22+$0x0], $0xffff  }
0xd2: {  	v21 =	vld.idx.msk [tilespmem:v16+s21+$0x0], $0xffff;
	v3 =	vadd.f32 v4, v3;
	v4 =	vmul.f32 v5, v14  }
0xd3: {  	v22 =	vor.u32 $0xB, v2;
	v5 =	vld.idx.msk [tilespmem:v16+s22+$0x0], $0xffff  }
0xd4: {  	v23 =	vld.idx.msk [tilespmem:v7+s21+$0x0], $0xffff;
	v3 =	vadd.f32 v4, v3;
	v4 =	vmul.f32 v6, v17  }
0xd5: {  	v6 =	vld.idx.msk [tilespmem:v7+s22+$0x0], $0xffff;
	v7 =	vor.u32 $0xC, v2  }
0xd6: {  	v24 =	vld.idx.msk [tilespmem:v20+s21+$0x0], $0xffff;
	v3 =	vadd.f32 v4, v3;
	v4 =	vmul.f32 v19, v18  }
0xd7: {  	v26 =	vor.u32 $0xD, v2;
	v25 =	vld.idx.msk [tilespmem:v20+s22+$0x0], $0xffff  }
0xd8: {  	v27 =	vld.idx.msk [tilespmem:v22+s21+$0x0], $0xffff;
	v3 =	vadd.f32 v4, v3;
	v4 =	vmul.f32 v5, v21  }
0xd9: {  	v28 =	vor.u32 $0xE, v2;
	v5 =	vld.idx.msk [tilespmem:v22+s22+$0x0], $0xffff  }
0xda: {  	v29 =	vld.idx.msk [tilespmem:v7+s21+$0x0], $0xffff;
	v3 =	vadd.f32 v4, v3;
	v4 =	vmul.f32 v6, v23  }
0xdb: {  	v6 =	vld.idx.msk [tilespmem:v7+s22+$0x0], $0xffff;
	v7 =	vor.u32 $0xF, v2  }
0xdc: {  	v30 =	vld.idx.msk [tilespmem:v26+s21+$0x0], $0xffff;
	v3 =	vadd.f32 v4, v3;
	v4 =	vmul.f32 v25, v24  }
0xdd: {  	v32 =	vor.u32 $0x10, v2;
	v31 =	vld.idx.msk [tilespmem:v26+s22+$0x0], $0xffff  }
0xde: {  	v33 =	vld.idx.msk [tilespmem:v28+s21+$0x0], $0xffff;
	v3 =	vadd.f32 v4, v3;
	v4 =	vmul.f32 v5, v27  }
0xdf: {  	v34 =	vor.u32 $0x11, v2;
	v5 =	vld.idx.msk [tilespmem:v28+s22+$0x0], $0xffff  }
0xe0: {  	v35 =	vld.idx.msk [tilespmem:v7+s21+$0x0], $0xffff;
	v3 =	vadd.f32 v4, v3;
	v4 =	vmul.f32 v6, v29  }
0xe1: {  	v6 =	vld.idx.msk [tilespmem:v7+s22+$0x0], $0xffff;
	v7 =	vor.u32 $0x12, v2  }
0xe2: {  	v36 =	vld.idx.msk [tilespmem:v32+s21+$0x0], $0xffff;
	v3 =	vadd.f32 v4, v3;
	v4 =	vmul.f32 v31, v30  }
0xe3: {  	v38 =	vor.u32 $0x13, v2;
	v37 =	vld.idx.msk [tilespmem:v32+s22+$0x0], $0xffff  }
0xe4: {  	v39 =	vld.idx.msk [tilespmem:v34+s21+$0x0], $0xffff;
	v3 =	vadd.f32 v4, v3;
	v4 =	vmul.f32 v5, v33  }
0xe5: {  	v40 =	vor.u32 $0x14, v2;
	v5 =	vld.idx.msk [tilespmem:v34+s22+$0x0], $0xffff  }
0xe6: {  	v41 =	vld.idx.msk [tilespmem:v7+s21+$0x0], $0xffff;
	v3 =	vadd.f32 v4, v3;
	v4 =	vmul.f32 v6, v35  }
0xe7: {  	v6 =	vld.idx.msk [tilespmem:v7+s22+$0x0], $0xffff;
	v7 =	vor.u32 $0x15, v2  }
0xe8: {  	v42 =	vld.idx.msk [tilespmem:v38+s21+$0x0], $0xffff;
	v3 =	vadd.f32 v4, v3;
	v4 =	vmul.f32 v37, v36  }
0xe9: {  	v44 =	vor.u32 $0x16, v2;
	v43 =	vld.idx.msk [tilespmem:v38+s22+$0x0], $0xffff  }
0xea: {  	v45 =	vld.idx.msk [tilespmem:v40+s21+$0x0], $0xffff;
	v3 =	vadd.f32 v4, v3;
	v4 =	vmul.f32 v5, v39  }
0xeb: {  	v46 =	vor.u32 $0x17, v2;
	v5 =	vld.idx.msk [tilespmem:v40+s22+$0x0], $0xffff  }
0xec: {  	v47 =	vld.idx.msk [tilespmem:v7+s21+$0x0], $0xffff;
	v3 =	vadd.f32 v4, v3;
	v4 =	vmul.f32 v6, v41  }
0xed: {  	v6 =	vld.idx.msk [tilespmem:v7+s22+$0x0], $0xffff;
	v7 =	vor.u32 $0x18, v2  }
0xee: {  	v48 =	vld.idx.msk [tilespmem:v44+s21+$0x0], $0xffff;
	v3 =	vadd.f32 v4, v3;
	v4 =	vmul.f32 v43, v42  }
0xef: {  	v50 =	vor.u32 $0x19, v2;
	v49 =	vld.idx.msk [tilespmem:v44+s22+$0x0], $0xffff  }
0xf0: {  	v51 =	vld.idx.msk [tilespmem:v46+s21+$0x0], $0xffff;
	v3 =	vadd.f32 v4, v3;
	v4 =	vmul.f32 v5, v45  }
0xf1: {  	v52 =	vor.u32 $0x1A, v2;
	v5 =	vld.idx.msk [tilespmem:v46+s22+$0x0], $0xffff  }
0xf2: {  	v53 =	vld.idx.msk [tilespmem:v7+s21+$0x0], $0xffff;
	v3 =	vadd.f32 v4, v3;
	v4 =	vmul.f32 v6, v47  }
0xf3: {  	v6 =	vld.idx.msk [tilespmem:v7+s22+$0x0], $0xffff;
	v7 =	vor.u32 $0x1B, v2  }
0xf4: {  	v54 =	vld.idx.msk [tilespmem:v50+s21+$0x0], $0xffff;
	v3 =	vadd.f32 v4, v3;
	v4 =	vmul.f32 v49, v48  }
0xf5: {  	v55 =	vld.idx.msk [tilespmem:v50+s22+$0x0], $0xffff;
	v56 =	vor.u32 $0x1C, v2  }
0xf6: {  	v57 =	vld.idx.msk [tilespmem:v52+s21+$0x0], $0xffff;
	v3 =	vadd.f32 v4, v3;
	v4 =	vmul.f32 v5, v51  }
0xf7: {  	v58 =	vor.u32 $0x1D, v2;
	v5 =	vld.idx.msk [tilespmem:v52+s22+$0x0], $0xffff  }
0xf8: {  	v59 =	vld.idx.msk [tilespmem:v7+s21+$0x0], $0xffff;
	v3 =	vadd.f32 v4, v3;
	v4 =	vmul.f32 v6, v53  }
0xf9: {  	v6 =	vld.idx.msk [tilespmem:v7+s22+$0x0], $0xffff;
	v7 =	vor.u32 $0x1E, v2  }
0xfa: {  	v60 =	vld.idx.msk [tilespmem:v56+s21+$0x0], $0xffff;
	v3 =	vadd.f32 v4, v3;
	v4 =	vmul.f32 v55, v54  }
0xfb: {  	v61 =	vld.idx.msk [tilespmem:v56+s22+$0x0], $0xffff;
	v2 =	vor.u32 $0x1F, v2  }
0xfc: {  	v62 =	vld.idx.msk [tilespmem:v58+s21+$0x0], $0xffff;
	v3 =	vadd.f32 v4, v3;
	v4 =	vmul.f32 v5, v57  }
0xfd: {  	v5 =	vld.idx.msk [tilespmem:v58+s22+$0x0], $0xffff  }
0xfe: {  	v63 =	vld.idx.msk [tilespmem:v7+s21+$0x0], $0xffff;
	v3 =	vadd.f32 v4, v3;
	v4 =	vmul.f32 v6, v59  }
0xff: {  	v6 =	vld.idx.msk [tilespmem:v7+s22+$0x0], $0xffff  }
0x100: {  	v7 =	vld.idx.msk [tilespmem:v2+s21+$0x0], $0xffff;
	v3 =	vadd.f32 v4, v3;
	v4 =	vmul.f32 v61, v60  }
0x101: {  	v2 =	vld.idx.msk [tilespmem:v2+s22+$0x0], $0xffff  }
0x102: {  	v3 =	vadd.f32 v4, v3;
	v4 =	vmul.f32 v5, v62;
	_ =	sdelay $0x1  }
0x103: {  	v3 =	vadd.f32 v4, v3;
	v4 =	vmul.f32 v6, v63  }
0x104: {  	s19 =	simm.s32 $0x8410  }
0x105: {  	v5 =	vld [tilespmem:s19+$0x0];
	v2 =	vmul.f32 v2, v7;
	v3 =	vadd.f32 v4, v3  }
0x106: {  	s25 =	simm.s32 $0x8610  }
0x107: {  	v2 =	vadd.f32 v2, v3;
	v3 =	vld [tilespmem:s25+$0x0];
	_ =	sdelay $0x1  }
0x108: {  	s26 =	simm.s32 $0x20  }
0x109: {  	v6 =	vmov s26;
	v4 =	vadd.f32 v2, v5  }
0x10a: {  	s28 =	simm.s32 $0x30;
	s26 =	simm.s32 $0x8800;
	v2 =	vshll.u32 v6, $0x5  }
.LBB2_2:
0x10b: {  	p1 =	sne.s32 s28, $0x1F0;
	v2 =	vor.u32 v0, v2;
	v3 =	vadd.f32 v4, v3;
	_ =	sdelay $0x1  }
0x10c: {  	v4 =	vor.u32 $0x1, v2;
	v3 =	vadd.f32 v3, v1  }
0x10d: {  	s26 =	sadd.s32 $0x10, s26  }
0x10e: {  	v5 =	vor.u32 $0x2, v2;
	[tilespmem:s26+$0x0] =	vst v3  }
0x10f: {  	v3 =	vld.idx.msk [tilespmem:v2+s22+$0x0], $0xffff  }
0x110: {  	v7 =	vor.u32 $0x3, v2;
	v6 =	vld.idx.msk [tilespmem:v2+s21+$0x0], $0xffff  }
0x111: {  	v8 =	vld.idx.msk [tilespmem:v4+s21+$0x0], $0xffff  }
0x112: {  	v9 =	vor.u32 $0x4, v2;
	v4 =	vld.idx.msk [tilespmem:v4+s22+$0x0], $0xffff  }
0x113: {  	v10 =	vld.idx.msk [tilespmem:v5+s21+$0x0], $0xffff  }
0x114: {  	v11 =	vor.u32 $0x5, v2;
	v5 =	vld.idx.msk [tilespmem:v5+s22+$0x0], $0xffff  }
0x115: {  	v12 =	vld.idx.msk [tilespmem:v7+s21+$0x0], $0xffff  }
0x116: {  	v3 =	vmul.f32 v3, v6;
	v6 =	vld.idx.msk [tilespmem:v7+s22+$0x0], $0xffff;
	v7 =	vor.u32 $0x6, v2  }
0x117: {  	v13 =	vld.idx.msk [tilespmem:v9+s21+$0x0], $0xffff  }
0x118: {  	v3 =	vadd.f32 $0.0e+00, v3;
	v4 =	vmul.f32 v4, v8;
	v8 =	vld.idx.msk [tilespmem:v9+s22+$0x0], $0xffff;
	v9 =	vor.u32 $0x7, v2  }
0x119: {  	v14 =	vld.idx.msk [tilespmem:v11+s21+$0x0], $0xffff  }
0x11a: {  	v3 =	vadd.f32 v4, v3;
	v4 =	vmul.f32 v5, v10;
	v10 =	vor.u32 $0x8, v2;
	v5 =	vld.idx.msk [tilespmem:v11+s22+$0x0], $0xffff  }
0x11b: {  	v11 =	vld.idx.msk [tilespmem:v7+s21+$0x0], $0xffff  }
0x11c: {  	v3 =	vadd.f32 v4, v3;
	v4 =	vmul.f32 v6, v12;
	v6 =	vld.idx.msk [tilespmem:v7+s22+$0x0], $0xffff;
	v7 =	vor.u32 $0x9, v2  }
0x11d: {  	v12 =	vld.idx.msk [tilespmem:v9+s21+$0x0], $0xffff  }
0x11e: {  	v3 =	vadd.f32 v4, v3;
	v4 =	vmul.f32 v8, v13;
	v8 =	vld.idx.msk [tilespmem:v9+s22+$0x0], $0xffff;
	v9 =	vor.u32 $0xA, v2  }
0x11f: {  	v13 =	vld.idx.msk [tilespmem:v10+s21+$0x0], $0xffff  }
0x120: {  	v3 =	vadd.f32 v4, v3;
	v4 =	vmul.f32 v5, v14;
	v5 =	vld.idx.msk [tilespmem:v10+s22+$0x0], $0xffff;
	v10 =	vor.u32 $0xB, v2  }
0x121: {  	v14 =	vld.idx.msk [tilespmem:v7+s21+$0x0], $0xffff  }
0x122: {  	v3 =	vadd.f32 v4, v3;
	v4 =	vmul.f32 v6, v11;
	v6 =	vld.idx.msk [tilespmem:v7+s22+$0x0], $0xffff;
	v7 =	vor.u32 $0xC, v2  }
0x123: {  	v11 =	vld.idx.msk [tilespmem:v9+s21+$0x0], $0xffff  }
0x124: {  	v3 =	vadd.f32 v4, v3;
	v4 =	vmul.f32 v8, v12;
	v8 =	vld.idx.msk [tilespmem:v9+s22+$0x0], $0xffff;
	v9 =	vor.u32 $0xD, v2  }
0x125: {  	v12 =	vld.idx.msk [tilespmem:v10+s21+$0x0], $0xffff  }
0x126: {  	v3 =	vadd.f32 v4, v3;
	v4 =	vmul.f32 v5, v13;
	v5 =	vld.idx.msk [tilespmem:v10+s22+$0x0], $0xffff;
	v10 =	vor.u32 $0xE, v2  }
0x127: {  	v13 =	vld.idx.msk [tilespmem:v7+s21+$0x0], $0xffff  }
0x128: {  	v3 =	vadd.f32 v4, v3;
	v4 =	vmul.f32 v6, v14;
	v6 =	vld.idx.msk [tilespmem:v7+s22+$0x0], $0xffff;
	v7 =	vor.u32 $0xF, v2  }
0x129: {  	v14 =	vld.idx.msk [tilespmem:v9+s21+$0x0], $0xffff  }
0x12a: {  	v3 =	vadd.f32 v4, v3;
	v4 =	vmul.f32 v8, v11;
	v8 =	vld.idx.msk [tilespmem:v9+s22+$0x0], $0xffff;
	v9 =	vor.u32 $0x10, v2  }
0x12b: {  	v11 =	vld.idx.msk [tilespmem:v10+s21+$0x0], $0xffff  }
0x12c: {  	v3 =	vadd.f32 v4, v3;
	v4 =	vmul.f32 v5, v12;
	v5 =	vld.idx.msk [tilespmem:v10+s22+$0x0], $0xffff;
	v10 =	vor.u32 $0x11, v2  }
0x12d: {  	v12 =	vld.idx.msk [tilespmem:v7+s21+$0x0], $0xffff  }
0x12e: {  	v3 =	vadd.f32 v4, v3;
	v4 =	vmul.f32 v6, v13;
	v6 =	vld.idx.msk [tilespmem:v7+s22+$0x0], $0xffff;
	v7 =	vor.u32 $0x12, v2  }
0x12f: {  	v13 =	vld.idx.msk [tilespmem:v9+s21+$0x0], $0xffff  }
0x130: {  	v3 =	vadd.f32 v4, v3;
	v4 =	vmul.f32 v8, v14;
	v8 =	vld.idx.msk [tilespmem:v9+s22+$0x0], $0xffff;
	v9 =	vor.u32 $0x13, v2  }
0x131: {  	v14 =	vld.idx.msk [tilespmem:v10+s21+$0x0], $0xffff  }
0x132: {  	v3 =	vadd.f32 v4, v3;
	v4 =	vmul.f32 v5, v11;
	v5 =	vld.idx.msk [tilespmem:v10+s22+$0x0], $0xffff;
	v10 =	vor.u32 $0x14, v2  }
0x133: {  	v11 =	vld.idx.msk [tilespmem:v7+s21+$0x0], $0xffff  }
0x134: {  	v3 =	vadd.f32 v4, v3;
	v4 =	vmul.f32 v6, v12;
	v6 =	vld.idx.msk [tilespmem:v7+s22+$0x0], $0xffff;
	v7 =	vor.u32 $0x15, v2  }
0x135: {  	v12 =	vld.idx.msk [tilespmem:v9+s21+$0x0], $0xffff  }
0x136: {  	v3 =	vadd.f32 v4, v3;
	v4 =	vmul.f32 v8, v13;
	v8 =	vld.idx.msk [tilespmem:v9+s22+$0x0], $0xffff;
	v9 =	vor.u32 $0x16, v2  }
0x137: {  	v13 =	vld.idx.msk [tilespmem:v10+s21+$0x0], $0xffff  }
0x138: {  	v3 =	vadd.f32 v4, v3;
	v4 =	vmul.f32 v5, v14;
	v5 =	vld.idx.msk [tilespmem:v10+s22+$0x0], $0xffff;
	v10 =	vor.u32 $0x17, v2  }
0x139: {  	v14 =	vld.idx.msk [tilespmem:v7+s21+$0x0], $0xffff  }
0x13a: {  	v3 =	vadd.f32 v4, v3;
	v4 =	vmul.f32 v6, v11;
	v6 =	vld.idx.msk [tilespmem:v7+s22+$0x0], $0xffff;
	v7 =	vor.u32 $0x18, v2  }
0x13b: {  	v11 =	vld.idx.msk [tilespmem:v9+s21+$0x0], $0xffff  }
0x13c: {  	v3 =	vadd.f32 v4, v3;
	v4 =	vmul.f32 v8, v12;
	v8 =	vld.idx.msk [tilespmem:v9+s22+$0x0], $0xffff;
	v9 =	vor.u32 $0x19, v2  }
0x13d: {  	v12 =	vld.idx.msk [tilespmem:v10+s21+$0x0], $0xffff  }
0x13e: {  	v3 =	vadd.f32 v4, v3;
	v4 =	vmul.f32 v5, v13;
	v5 =	vld.idx.msk [tilespmem:v10+s22+$0x0], $0xffff;
	v10 =	vor.u32 $0x1A, v2  }
0x13f: {  	v13 =	vld.idx.msk [tilespmem:v7+s21+$0x0], $0xffff  }
0x140: {  	v3 =	vadd.f32 v4, v3;
	v4 =	vmul.f32 v6, v14;
	v6 =	vld.idx.msk [tilespmem:v7+s22+$0x0], $0xffff;
	v7 =	vor.u32 $0x1B, v2  }
0x141: {  	v14 =	vld.idx.msk [tilespmem:v9+s21+$0x0], $0xffff  }
0x142: {  	v3 =	vadd.f32 v4, v3;
	v4 =	vmul.f32 v8, v11;
	v8 =	vld.idx.msk [tilespmem:v9+s22+$0x0], $0xffff;
	v9 =	vor.u32 $0x1C, v2  }
0x143: {  	v11 =	vld.idx.msk [tilespmem:v10+s21+$0x0], $0xffff  }
0x144: {  	v3 =	vadd.f32 v4, v3;
	v4 =	vmul.f32 v5, v12;
	v5 =	vld.idx.msk [tilespmem:v10+s22+$0x0], $0xffff;
	v10 =	vor.u32 $0x1D, v2  }
0x145: {  	v12 =	vld.idx.msk [tilespmem:v7+s21+$0x0], $0xffff  }
0x146: {  	v3 =	vadd.f32 v4, v3;
	v4 =	vmul.f32 v6, v13;
	v6 =	vld.idx.msk [tilespmem:v7+s22+$0x0], $0xffff;
	v7 =	vor.u32 $0x1E, v2  }
0x147: {  	v13 =	vld.idx.msk [tilespmem:v9+s21+$0x0], $0xffff  }
0x148: {  	v2 =	vor.u32 $0x1F, v2;
	v3 =	vadd.f32 v4, v3;
	v4 =	vmul.f32 v8, v14;
	v8 =	vld.idx.msk [tilespmem:v9+s22+$0x0], $0xffff  }
0x149: {  	v9 =	vld.idx.msk [tilespmem:v10+s21+$0x0], $0xffff  }
0x14a: {  	v3 =	vadd.f32 v4, v3;
	v4 =	vmul.f32 v5, v11;
	v5 =	vld.idx.msk [tilespmem:v10+s22+$0x0], $0xffff  }
0x14b: {  	v10 =	vld.idx.msk [tilespmem:v7+s21+$0x0], $0xffff  }
0x14c: {  	v3 =	vadd.f32 v4, v3;
	v4 =	vmul.f32 v6, v12;
	v6 =	vld.idx.msk [tilespmem:v7+s22+$0x0], $0xffff  }
0x14d: {  	v7 =	vld.idx.msk [tilespmem:v2+s21+$0x0], $0xffff  }
0x14e: {  	v3 =	vadd.f32 v4, v3;
	v4 =	vmul.f32 v8, v13;
	v2 =	vld.idx.msk [tilespmem:v2+s22+$0x0], $0xffff;
	_ =	sdelay $0x1  }
0x14f: {  	v3 =	vadd.f32 v4, v3;
	v4 =	vmul.f32 v5, v9;
	_ =	sdelay $0x1  }
0x150: {  	s19 =	sadd.s32 $0x10, s19;
	v3 =	vadd.f32 v4, v3;
	v4 =	vmul.f32 v6, v10  }
0x151: {  	v5 =	vld [tilespmem:s19+$0x0]  }
0x152: {  	s25 =	sadd.s32 $0x10, s25;
	v4 =	vadd.f32 v4, v3;
	v2 =	vmul.f32 v2, v7  }
.Ltmp0:
0x153: {  	v3 =	vld [tilespmem:s25+$0x0];
	(pc) =	sbr.rel @p1 .LBB2_2-.Ltmp0, $3  }
0x154: {  	v2 =	vadd.f32 v2, v4;
	_ =	sdelay $0x1  }
0x155: {  	v6 =	vmov s28;
	v4 =	vadd.f32 v2, v5  }
0x156: {  	s28 =	sadd.s32 $0x10, s28;
	v2 =	vshll.u32 v6, $0x5  }
0x157: {  	v2 =	vor.u32 v0, v2;
	v3 =	vadd.f32 v4, v3;
	_ =	sdelay $0x1  }
0x158: {  	v49 =	vor.u32 $0x1, v2;
	v3 =	vadd.f32 v3, v1  }
0x159: {  	s26 =	sadd.s32 $0x10, s26  }
0x15a: {  	v5 =	vor.u32 $0x2, v2;
	[tilespmem:s26+$0x0] =	vst v3  }
0x15b: {  	v3 =	vld.idx.msk [tilespmem:v2+s22+$0x0], $0xffff  }
0x15c: {  	v7 =	vor.u32 $0x3, v2;
	v6 =	vld.idx.msk [tilespmem:v2+s21+$0x0], $0xffff  }
0x15d: {  	v8 =	vld.idx.msk [tilespmem:v49+s21+$0x0], $0xffff  }
0x15e: {  	v9 =	vor.u32 $0x4, v2;
	v4 =	vld.idx.msk [tilespmem:v49+s22+$0x0], $0xffff  }
0x15f: {  	v10 =	vld.idx.msk [tilespmem:v5+s21+$0x0], $0xffff  }
0x160: {  	v11 =	vor.u32 $0x5, v2;
	v5 =	vld.idx.msk [tilespmem:v5+s22+$0x0], $0xffff  }
0x161: {  	v12 =	vld.idx.msk [tilespmem:v7+s21+$0x0], $0xffff;
	v3 =	vmul.f32 v3, v6  }
0x162: {  	v51 =	vor.u32 $0x6, v2;
	v50 =	vld.idx.msk [tilespmem:v7+s22+$0x0], $0xffff  }
0x163: {  	v13 =	vld.idx.msk [tilespmem:v9+s21+$0x0], $0xffff;
	v4 =	vmul.f32 v4, v8;
	v3 =	vadd.f32 $0.0e+00, v3  }
0x164: {  	v53 =	vor.u32 $0x7, v2;
	v52 =	vld.idx.msk [tilespmem:v9+s22+$0x0], $0xffff  }
0x165: {  	v14 =	vld.idx.msk [tilespmem:v11+s21+$0x0], $0xffff;
	v54 =	vmul.f32 v5, v10;
	v3 =	vadd.f32 v4, v3  }
0x166: {  	v56 =	vor.u32 $0x8, v2;
	v55 =	vld.idx.msk [tilespmem:v11+s22+$0x0], $0xffff  }
0x167: {  	v57 =	vld.idx.msk [tilespmem:v51+s21+$0x0], $0xffff;
	v58 =	vmul.f32 v50, v12;
	v3 =	vadd.f32 v54, v3  }
0x168: {  	v60 =	vor.u32 $0x9, v2;
	v59 =	vld.idx.msk [tilespmem:v51+s22+$0x0], $0xffff  }
0x169: {  	v61 =	vld.idx.msk [tilespmem:v53+s21+$0x0], $0xffff;
	v62 =	vmul.f32 v52, v13;
	v3 =	vadd.f32 v58, v3  }
0x16a: {  	v16 =	vor.u32 $0xA, v2;
	v63 =	vld.idx.msk [tilespmem:v53+s22+$0x0], $0xffff  }
0x16b: {  	v17 =	vld.idx.msk [tilespmem:v56+s21+$0x0], $0xffff;
	v18 =	vmul.f32 v55, v14;
	v3 =	vadd.f32 v62, v3  }
0x16c: {  	v20 =	vor.u32 $0xB, v2;
	v19 =	vld.idx.msk [tilespmem:v56+s22+$0x0], $0xffff  }
0x16d: {  	v21 =	vld.idx.msk [tilespmem:v60+s21+$0x0], $0xffff;
	v22 =	vmul.f32 v59, v57;
	v3 =	vadd.f32 v18, v3  }
0x16e: {  	v24 =	vor.u32 $0xC, v2;
	v23 =	vld.idx.msk [tilespmem:v60+s22+$0x0], $0xffff  }
0x16f: {  	v25 =	vld.idx.msk [tilespmem:v16+s21+$0x0], $0xffff;
	v26 =	vmul.f32 v63, v61;
	v3 =	vadd.f32 v22, v3  }
0x170: {  	v28 =	vor.u32 $0xD, v2;
	v27 =	vld.idx.msk [tilespmem:v16+s22+$0x0], $0xffff  }
0x171: {  	v29 =	vld.idx.msk [tilespmem:v20+s21+$0x0], $0xffff;
	v30 =	vmul.f32 v19, v17;
	v3 =	vadd.f32 v26, v3  }
0x172: {  	v32 =	vor.u32 $0xE, v2;
	v31 =	vld.idx.msk [tilespmem:v20+s22+$0x0], $0xffff  }
0x173: {  	v33 =	vld.idx.msk [tilespmem:v24+s21+$0x0], $0xffff;
	v34 =	vmul.f32 v23, v21;
	v3 =	vadd.f32 v30, v3  }
0x174: {  	v36 =	vor.u32 $0xF, v2;
	v35 =	vld.idx.msk [tilespmem:v24+s22+$0x0], $0xffff  }
0x175: {  	v37 =	vld.idx.msk [tilespmem:v28+s21+$0x0], $0xffff;
	v38 =	vmul.f32 v27, v25;
	v3 =	vadd.f32 v34, v3  }
0x176: {  	v40 =	vor.u32 $0x10, v2;
	v39 =	vld.idx.msk [tilespmem:v28+s22+$0x0], $0xffff  }
0x177: {  	v41 =	vld.idx.msk [tilespmem:v32+s21+$0x0], $0xffff;
	v42 =	vmul.f32 v31, v29;
	v3 =	vadd.f32 v38, v3  }
0x178: {  	v44 =	vor.u32 $0x11, v2;
	v43 =	vld.idx.msk [tilespmem:v32+s22+$0x0], $0xffff  }
0x179: {  	v45 =	vld.idx.msk [tilespmem:v36+s21+$0x0], $0xffff;
	v46 =	vmul.f32 v35, v33;
	v3 =	vadd.f32 v42, v3  }
0x17a: {  	v48 =	vor.u32 $0x12, v2;
	v47 =	vld.idx.msk [tilespmem:v36+s22+$0x0], $0xffff  }
0x17b: {  	v49 =	vld.idx.msk [tilespmem:v40+s21+$0x0], $0xffff;
	v50 =	vmul.f32 v39, v37;
	v3 =	vadd.f32 v46, v3  }
0x17c: {  	v51 =	vld.idx.msk [tilespmem:v40+s22+$0x0], $0xffff;
	v52 =	vor.u32 $0x13, v2  }
0x17d: {  	v53 =	vld.idx.msk [tilespmem:v44+s21+$0x0], $0xffff;
	v54 =	vmul.f32 v43, v41;
	v3 =	vadd.f32 v50, v3  }
0x17e: {  	v56 =	vor.u32 $0x14, v2;
	v55 =	vld.idx.msk [tilespmem:v44+s22+$0x0], $0xffff  }
0x17f: {  	v57 =	vld.idx.msk [tilespmem:v48+s21+$0x0], $0xffff;
	v58 =	vmul.f32 v47, v45;
	v3 =	vadd.f32 v54, v3  }
0x180: {  	v60 =	vor.u32 $0x15, v2;
	v59 =	vld.idx.msk [tilespmem:v48+s22+$0x0], $0xffff  }
0x181: {  	v61 =	vld.idx.msk [tilespmem:v52+s21+$0x0], $0xffff;
	v62 =	vmul.f32 v51, v49;
	v3 =	vadd.f32 v58, v3  }
0x182: {  	v16 =	vor.u32 $0x16, v2;
	v63 =	vld.idx.msk [tilespmem:v52+s22+$0x0], $0xffff  }
0x183: {  	v17 =	vld.idx.msk [tilespmem:v56+s21+$0x0], $0xffff;
	v18 =	vmul.f32 v55, v53;
	v3 =	vadd.f32 v62, v3  }
0x184: {  	v20 =	vor.u32 $0x17, v2;
	v19 =	vld.idx.msk [tilespmem:v56+s22+$0x0], $0xffff  }
0x185: {  	v21 =	vld.idx.msk [tilespmem:v60+s21+$0x0], $0xffff;
	v22 =	vmul.f32 v59, v57;
	v3 =	vadd.f32 v18, v3  }
0x186: {  	v24 =	vor.u32 $0x18, v2;
	v23 =	vld.idx.msk [tilespmem:v60+s22+$0x0], $0xffff  }
0x187: {  	v25 =	vld.idx.msk [tilespmem:v16+s21+$0x0], $0xffff;
	v26 =	vmul.f32 v63, v61;
	v3 =	vadd.f32 v22, v3  }
0x188: {  	v28 =	vor.u32 $0x19, v2;
	v27 =	vld.idx.msk [tilespmem:v16+s22+$0x0], $0xffff  }
0x189: {  	v29 =	vld.idx.msk [tilespmem:v20+s21+$0x0], $0xffff;
	v30 =	vmul.f32 v19, v17;
	v3 =	vadd.f32 v26, v3  }
0x18a: {  	v32 =	vor.u32 $0x1A, v2;
	v31 =	vld.idx.msk [tilespmem:v20+s22+$0x0], $0xffff  }
0x18b: {  	v33 =	vld.idx.msk [tilespmem:v24+s21+$0x0], $0xffff;
	v34 =	vmul.f32 v23, v21;
	v3 =	vadd.f32 v30, v3  }
0x18c: {  	v36 =	vor.u32 $0x1B, v2;
	v35 =	vld.idx.msk [tilespmem:v24+s22+$0x0], $0xffff  }
0x18d: {  	v37 =	vld.idx.msk [tilespmem:v28+s21+$0x0], $0xffff;
	v38 =	vmul.f32 v27, v25;
	v3 =	vadd.f32 v34, v3  }
0x18e: {  	v40 =	vor.u32 $0x1C, v2;
	v39 =	vld.idx.msk [tilespmem:v28+s22+$0x0], $0xffff  }
0x18f: {  	v41 =	vld.idx.msk [tilespmem:v32+s21+$0x0], $0xffff;
	v42 =	vmul.f32 v31, v29;
	v3 =	vadd.f32 v38, v3  }
0x190: {  	v44 =	vor.u32 $0x1D, v2;
	v43 =	vld.idx.msk [tilespmem:v32+s22+$0x0], $0xffff  }
0x191: {  	v45 =	vld.idx.msk [tilespmem:v36+s21+$0x0], $0xffff;
	v46 =	vmul.f32 v35, v33;
	v3 =	vadd.f32 v42, v3  }
0x192: {  	v48 =	vor.u32 $0x1E, v2;
	v47 =	vld.idx.msk [tilespmem:v36+s22+$0x0], $0xffff  }
0x193: {  	v49 =	vld.idx.msk [tilespmem:v40+s21+$0x0], $0xffff;
	v50 =	vmul.f32 v39, v37;
	v3 =	vadd.f32 v46, v3  }
0x194: {  	v2 =	vor.u32 $0x1F, v2;
	v51 =	vld.idx.msk [tilespmem:v40+s22+$0x0], $0xffff  }
0x195: {  	v52 =	vld.idx.msk [tilespmem:v44+s21+$0x0], $0xffff;
	v53 =	vmul.f32 v43, v41;
	v3 =	vadd.f32 v50, v3  }
0x196: {  	v54 =	vld.idx.msk [tilespmem:v44+s22+$0x0], $0xffff  }
0x197: {  	v55 =	vld.idx.msk [tilespmem:v48+s21+$0x0], $0xffff;
	v56 =	vmul.f32 v47, v45;
	v3 =	vadd.f32 v53, v3  }
0x198: {  	v57 =	vld.idx.msk [tilespmem:v48+s22+$0x0], $0xffff  }
0x199: {  	v59 =	vmul.f32 v51, v49;
	v58 =	vld.idx.msk [tilespmem:v2+s21+$0x0], $0xffff;
	v3 =	vadd.f32 v56, v3  }
0x19a: {  	v2 =	vld.idx.msk [tilespmem:v2+s22+$0x0], $0xffff  }
0x19b: {  	v60 =	vmul.f32 v54, v52;
	v3 =	vadd.f32 v59, v3;
	_ =	sdelay $0x1  }
0x19c: {  	s19 =	sadd.s32 $0x10, s19;
	v61 =	vmul.f32 v57, v55;
	v3 =	vadd.f32 v60, v3  }
0x19d: {  	v62 =	vld [tilespmem:s19+$0x0]  }
0x19e: {  	s25 =	sadd.s32 $0x10, s25;
	v2 =	vmul.f32 v2, v58;
	v3 =	vadd.f32 v61, v3  }
0x19f: {  	v63 =	vld [tilespmem:s25+$0x0]  }
0x1a0: {  	v2 =	vadd.f32 v2, v3;
	_ =	sdelay $0x1  }
0x1a1: {  	v2 =	vadd.f32 v2, v62;
	_ =	sdelay $0x1  }
0x1a2: {  	v2 =	vadd.f32 v2, v63;
	_ =	sdelay $0x1  }
0x1a3: {  	v1 =	vadd.f32 v2, v1  }
0x1a4: {  	s28 =	sadd.s32 $0x10, s26  }
0x1a5: {  	[tilespmem:s28+$0x0] =	vst v1  }
0x1a6: {  	[hbm4b:s14+s3] =	stream.linear.scatter [tilespmem:s0], [sflag:$0x3], $0x200, $0x38;
	[tilespmem:$0x8A20] =	vst v63  }
0x1a7: {  	_ =	swait.ge [sflag:s16], $0x200  }
0x1a8: {  	[sflag:s16] =	ssyncset.done $0x0  }
0x1a9: {  	[sflag:s16] =	ssyncadd.s32 $0xFFFFFE00  }
0x1aa: {  	v1 =	vld @!p0 [tilespmem:$0x8A10];
	_ =	sdelay $0x4  }
0x1ab: {  	v1 =	vmul.f32 @!p0 $1.442695020e+00, v1;
	_ =	sdelay $0x1  }
0x1ac: {  	(erf) = vpow2.f32 @!p0 v1;
	_ =	sdelay $0x8  }
0x1ad: {  	v1 =	vpop @!p0 (erf)  }
0x1ae: {  	(erf) = vrcp.f32 @!p0 v1;
	_ =	sdelay $0x8  }
0x1af: {  	v1 =	vpop @!p0 (erf)  }
0x1b0: {  	s25 =	simm.s32 @!p0 $0x8A10;
	s19 =	simm.s32 @!p0 $0x0;
	s26 =	rddreg [dreg:$0x5];
	[tilespmem:$0x8A10] =	vst @!p0 v1  }
0x1b1: {  	[hbm4b:s26+s19] =	stream.linear.scatter @!p0 [tilespmem:s25], [sflag:$0x3], $0x10, $0x38;
	[tilespmem:$0x8A20] =	vst v63  }
0x1b2: {  	s19 =	simm.s32 @!p0 $0x3  }
0x1b3: {  	_ =	swait.ge @!p0 [sflag:s19], $0x10  }
0x1b4: {  	[sflag:s19] =	ssyncset.done @!p0 $0x0  }
0x1b5: {  	s2 =	sadd.s32 $0x1, s2;
	[sflag:s19] =	ssyncadd.s32 @!p0 $0xFFFFFFF0  }
0x1b6: {  	p1 =	sne.s32 s2, s15;
	_ =	swait.ge [sflag:s4], $0x4000  }
.Ltmp1:
0x1b7: {  	[sflag:s4] =	ssyncset.done $0x0;
	(pc) =	sbr.rel @p1 .LBB2_1-.Ltmp1, $4  }
0x1b8: {  	[sflag:s4] =	ssyncadd.s32 $0xFFFFC000  }
0x1b9: {  	_ =	swait.ge [sflag:s4], $0x4000  }
0x1ba: {  	[sflag:s4] =	ssyncset.done $0x0  }
0x1bb: {  	[sflag:s4] =	ssyncadd.s32 $0xFFFFC000  }
0x1bc: {  	_ =	sfence.sel $0x180000  }
0x1bd: {  	[bflag:$0x0] =	sbarrier.arrive $0xFFFF  }
0x1be: {  	_ =	strace $0x90000047  }
0x1bf: {  	s0 =	stileid.u32;
	[bflag:$0x2] =	sbarrier.arrive $0xFFFF  }
0x1c0: {  	p0 =	sne.s32 s0, $0x0;
	s0 =	rddreg [dreg:$0x7]  }
0x1c1: {  	s0 =	sadd.s32 @!p0 $0x100000, s0  }
0x1c2: {  	[sflag:s0] =	ssyncadd.tile.s32 @!p0 $0x1;
	_ =	shalt  }
.Lfunc_end2:
_tile_overlayer_lowered:
.L_overlay_start_2:
0x1c3: {  	(tag) =	ssettag $0x2  }
0x1c4: {  	s0 =	rddreg [dreg:$0x0];
	s2 =	stileid.u32  }
0x1c5: {  	s1 =	rddreg [dreg:$0x1];
	p0 =	sne.s32 s2, $0x0  }
0x1c6: {  	s3 =	rddreg [dreg:$0x2];
	[bflag:$0x3] =	sbarrier.arrive $0xFFFF;
	s2 =	simm.s32 @!p0 $0x1C03  }
0x1c7: {  	[timem:s3], [sflag:s2] =	dma.local @!p0 [hbm:s0], s1  }
0x1c8: {  	s0 =	simm.s32 @!p0 $0x3  }
0x1c9: {  	_ =	swait.ge @!p0 [sflag:s0], s1  }
0x1ca: {  	s1 =	ssub.s32 @!p0 $0x0, s1;
	[sflag:s0] =	ssyncset.done @!p0 $0x0  }
0x1cb: {  	[sflag:s0] =	ssyncadd.s32 @!p0 s1  }
0x1cc: {  	[bflag:$0x3] =	sbarrier.arrive $0xFFFF  }
0x1cd: {  	_ =	shalt  }

</sc_bundles>
